<compile_context>
chip_gen: v7x
topology: tpu7x:2x2x1
jax: 0.10.2.dev20260603
libtpu: 0.0.44.dev20260713+nightly
codegen_flags: <defaults>
</compile_context>

<pallas_src>
import functools

import jax
import jax.numpy as jnp
from jax import lax
from jax.experimental import pallas as pl
from jax.experimental.pallas import tpu as pltpu
from jax.experimental.pallas import tpu_sc as plsc

NC, NS, LANES = 2, 16, 16
NW = NC * NS

N = 10000
NE = 10000
E = 160000
NP = 10240
CHUNK = 128
CHUNKS = 40
EP = NW * CHUNKS * CHUNK
ROWS_W = NP // NS


def _matmul_kernel(x_ref, w_ref, o_ref):
    o_ref[...] = jnp.dot(x_ref[...], w_ref[...],
                         preferred_element_type=jnp.float32)


def _matmul(x, w):
    M, K = x.shape
    D = w.shape[1]
    return pl.pallas_call(
        _matmul_kernel,
        out_shape=jax.ShapeDtypeStruct((M, D), jnp.float32),
    )(x, w)


def _scale_kernel(accp_ref, degp_ref, o_ref):
    d = degp_ref[0] + degp_ref[1]
    dinv = jnp.where(d > 0.0, 1.0 / d, 0.0)
    o_ref[...] = (accp_ref[0] + accp_ref[1]) * dinv[:, None]


def _scale(acc_p, deg_p):
    _, M, D = acc_p.shape
    return pl.pallas_call(
        _scale_kernel,
        out_shape=jax.ShapeDtypeStruct((M, D), jnp.float32),
    )(acc_p, deg_p)


def _finish1_kernel(accp_ref, degp_ref, b1_ref, w2_ref, o_ref):
    d = degp_ref[0] + degp_ref[1]
    dinv = jnp.where(d > 0.0, 1.0 / d, 0.0)
    h = (accp_ref[0] + accp_ref[1]) * dinv[:, None] + b1_ref[...]
    h = jnp.maximum(h, 0.0)
    o_ref[...] = jnp.dot(h, w2_ref[...], preferred_element_type=jnp.float32)


def _finish1(acc_p, deg_p, b1, w2p):
    _, M, _ = acc_p.shape
    D = w2p.shape[1]
    return pl.pallas_call(
        _finish1_kernel,
        out_shape=jax.ShapeDtypeStruct((M, D), jnp.float32),
    )(acc_p, deg_p, b1, w2p)


def _finish2_kernel(accp_ref, degp_ref, b2_ref, o_ref):
    d = degp_ref[0] + degp_ref[1]
    dinv = jnp.where(d > 0.0, 1.0 / d, 0.0)
    o_ref[...] = (accp_ref[0] + accp_ref[1]) * dinv[:, None] + b2_ref[...]


def _finish2(acc_p, deg_p, b2p):
    _, M, D = acc_p.shape
    return pl.pallas_call(
        _finish2_kernel,
        out_shape=jax.ShapeDtypeStruct((M, D), jnp.float32),
    )(acc_p, deg_p, b2p)


def _sc_pass(table, gidx_all, sidx_all, D, with_deg):
    outs = [jax.ShapeDtypeStruct((NC * NP, D), jnp.float32)]
    if with_deg:
        outs.append(jax.ShapeDtypeStruct((NC * NP,), jnp.float32))
        outs.append(jax.ShapeDtypeStruct((NC * NP,), jnp.float32))
    scratch = [
        pltpu.VMEM((CHUNK,), jnp.int32),
        pltpu.VMEM((CHUNK,), jnp.int32),
        pltpu.VMEM((CHUNK, D), jnp.float32),
        pltpu.VMEM((ROWS_W, D), jnp.float32),
        pltpu.VMEM_SHARED((NP, D), jnp.float32),
        pltpu.SemaphoreType.DMA,
    ]
    if with_deg:
        scratch += [
            pltpu.VMEM((CHUNK,), jnp.float32),
            pltpu.VMEM((ROWS_W,), jnp.float32),
            pltpu.VMEM_SHARED((NP,), jnp.float32),
            pltpu.VMEM_SHARED((NP,), jnp.float32),
        ]
    mesh = plsc.VectorSubcoreMesh(core_axis_name="c", subcore_axis_name="s")

    @functools.partial(
        pl.kernel, out_type=tuple(outs), mesh=mesh, scratch_types=scratch,
        compiler_params=pltpu.CompilerParams(use_tc_tiling_on_sc=False))
    def run(table_h, gi_h, si_h, *refs):
        if with_deg:
            (acc_h, dg_h, db_h, gidx_v, sidx_v, rows_v, zbuf_v, acc_sp,
             sem, ones_v, zvec_v, dg_sp, db_sp) = refs
        else:
            (acc_h, gidx_v, sidx_v, rows_v, zbuf_v, acc_sp, sem) = refs
        sid = lax.axis_index("s")
        cid = lax.axis_index("c")
        gw = sid * NC + cid
        r0 = sid * ROWS_W

        def zero_row(i, _):
            for j in range(D // LANES):
                zbuf_v[i, pl.ds(j * LANES, LANES)] = jnp.zeros(
                    (LANES,), jnp.float32)
            return 0

        lax.fori_loop(0, ROWS_W, zero_row, 0)
        pltpu.sync_copy(zbuf_v, acc_sp.at[pl.ds(r0, ROWS_W)])

        if with_deg:
            def fill_small(i, _):
                zvec_v[pl.ds(i * LANES, LANES)] = jnp.zeros(
                    (LANES,), jnp.float32)
                ones_v[pl.ds((i % (CHUNK // LANES)) * LANES, LANES)] = (
                    jnp.ones((LANES,), jnp.float32))
                return 0

            lax.fori_loop(0, ROWS_W // LANES, fill_small, 0)
            pltpu.sync_copy(zvec_v, dg_sp.at[pl.ds(r0, ROWS_W)])
            pltpu.sync_copy(zvec_v, db_sp.at[pl.ds(r0, ROWS_W)])

        plsc.subcore_barrier()

        def chunk_body(ci, _):
            off = (gw * CHUNKS + ci) * CHUNK
            pltpu.sync_copy(gi_h.at[pl.ds(off, CHUNK)], gidx_v)
            pltpu.sync_copy(si_h.at[pl.ds(off, CHUNK)], sidx_v)
            pltpu.async_copy(table_h.at[gidx_v], rows_v, sem).wait()
            pltpu.sync_copy(rows_v, acc_sp.at[sidx_v], add=True)
            if with_deg:
                pltpu.sync_copy(ones_v, dg_sp.at[gidx_v], add=True)
                pltpu.sync_copy(ones_v, db_sp.at[sidx_v], add=True)
            return 0

        lax.fori_loop(0, CHUNKS, chunk_body, 0)
        plsc.subcore_barrier()

        o0 = cid * NP + r0
        pltpu.sync_copy(acc_sp.at[pl.ds(r0, ROWS_W)],
                        acc_h.at[pl.ds(o0, ROWS_W)])
        if with_deg:
            pltpu.sync_copy(dg_sp.at[pl.ds(r0, ROWS_W)],
                            dg_h.at[pl.ds(o0, ROWS_W)])
            pltpu.sync_copy(db_sp.at[pl.ds(r0, ROWS_W)],
                            db_h.at[pl.ds(o0, ROWS_W)])

    res = run(table, gidx_all, sidx_all)
    if with_deg:
        acc, dg, db = res
        return (acc.reshape(NC, NP, D), dg.reshape(NC, NP),
                db.reshape(NC, NP))
    return res[0].reshape(NC, NP, D)


def kernel(x, edge_index, W1, b1, W2, b2):
    hid = W1.shape[1]
    out_d = W2.shape[1]
    d2p = LANES

    x_pad = jnp.concatenate(
        [x, jnp.zeros((NP - N, x.shape[1]), jnp.float32)], axis=0)
    src = edge_index[0]
    dst = edge_index[1]
    pad_ids = jnp.arange(EP - E, dtype=jnp.int32) % 16
    src_p = jnp.concatenate([src, N + pad_ids])
    dst_p = jnp.concatenate([dst, NE + pad_ids])
    w2p = jnp.concatenate(
        [W2, jnp.zeros((hid, d2p - out_d), jnp.float32)], axis=1)
    b1r = b1.reshape(1, hid)
    b2r = jnp.concatenate([b2, jnp.zeros((d2p - out_d,), jnp.float32)]
                          ).reshape(1, d2p)

    xw = _matmul(x_pad, W1)
    he_p, deg_p, bdeg_p = _sc_pass(xw, src_p, dst_p, hid, True)
    he = _scale(he_p, bdeg_p)
    out1_p = _sc_pass(he, dst_p, src_p, hid, False)
    hw2 = _finish1(out1_p, deg_p, b1r, w2p)

    he2_p = _sc_pass(hw2, src_p, dst_p, d2p, False)
    he2 = _scale(he2_p, bdeg_p)
    out2_p = _sc_pass(he2, dst_p, src_p, d2p, False)
    out_full = _finish2(out2_p, deg_p, b2r)

    return out_full[:N, :out_d]

# --- scband reference (transcript-rebuilt; emitter-appended) ---
"""Pipeline reference for scband-hgnnmodel-44985487458939 (READ-ONLY COPY).

The authoritative reference and input builder live on the scoring server;
editing this copy changes nothing except your own understanding.
"""

import jax, jax.numpy as jnp
import numpy as np

N = 10000        # num nodes
NE = 10000       # num hyperedges (edge_index[1] values are in [0, NE))
E = 160000       # num incidence pairs
IN_DIM = 256
HID = 32
OUT = 2


def setup_inputs(seed: int = 0) -> dict:
    key = jax.random.key(seed)
    ks = jax.random.split(key, 4)
    x = jax.random.normal(ks[0], (N, IN_DIM), dtype=jnp.float32)
    edge_index = jax.random.randint(ks[1], (2, E), 0, N, dtype=jnp.int32)
    W1 = jax.random.normal(ks[2], (IN_DIM, HID), dtype=jnp.float32) * (1.0 / np.sqrt(IN_DIM))
    b1 = jnp.zeros((HID,), dtype=jnp.float32)
    W2 = jax.random.normal(ks[3], (HID, OUT), dtype=jnp.float32) * (1.0 / np.sqrt(HID))
    b2 = jnp.zeros((OUT,), dtype=jnp.float32)
    return {"x": x, "edge_index": edge_index, "W1": W1, "b1": b1, "W2": W2, "b2": b2}


def _hconv(x, src, dst, W, b, n_nodes, n_edges):
    # Faithful PyG HypergraphConv (no attention, hyperedge_weight = ones):
    # X' = D^{-1} H W_e B^{-1} H^T (X Theta) + bias
    xw = x @ W                                   # lin (bias=False)
    deg = jnp.zeros((n_nodes,), xw.dtype).at[src].add(1.0)     # D (node degree)
    Dinv = jnp.where(deg > 0, 1.0 / deg, 0.0)
    bdeg = jnp.zeros((n_edges,), xw.dtype).at[dst].add(1.0)    # B (hyperedge degree)
    Binv = jnp.where(bdeg > 0, 1.0 / bdeg, 0.0)
    # pass 1: nodes -> hyperedges, norm = B^{-1}
    he = jnp.zeros((n_edges, xw.shape[1]), xw.dtype).at[dst].add(xw[src])
    he = Binv[:, None] * he
    # pass 2: hyperedges -> nodes, norm = D^{-1}
    out = jnp.zeros((n_nodes, xw.shape[1]), xw.dtype).at[src].add(he[dst])
    out = Dinv[:, None] * out + b
    return out


def reference(x, edge_index, W1, b1, W2, b2):
    src = edge_index[0]
    dst = edge_index[1]
    h = _hconv(x, src, dst, W1, b1, N, NE)
    h = jax.nn.relu(h)
    # dropout(0.5) is identity in eval mode
    out = _hconv(h, src, dst, W2, b2, N, NE)
    return out

if __name__ == "__main__":
    import jax
    _d = setup_inputs()
    print(jax.jit(kernel)(*tuple(_d.values())))

</pallas_src>

<mosaic_0001>
#map = affine_map<(d0, d1) -> (0, 0)>
#map1 = affine_map<(d0, d1) -> (0)>
module attributes {stable_mosaic.version = 14 : i64} {
  func.func @run(%arg0: i32, %arg1: i32, %arg2: memref<10240x32xf32, #tpu.memory_space<hbm>>, %arg3: memref<163840xi32, #tpu.memory_space<hbm>>, %arg4: memref<163840xi32, #tpu.memory_space<hbm>>, %arg5: memref<20480x32xf32, #tpu.memory_space<hbm>>, %arg6: memref<128xi32, #tpu.memory_space<vmem>>, %arg7: memref<128xi32, #tpu.memory_space<vmem>>, %arg8: memref<128x32xf32, #tpu.memory_space<vmem>>, %arg9: memref<640x32xf32, #tpu.memory_space<vmem>>, %arg10: memref<10240x32xf32, #tpu.memory_space<vmem_shared>>, %arg11: memref<!tpu.dma_semaphore, #tpu.memory_space<semaphore_mem>>) attributes {dimension_semantics = [#tpu.dimension_semantics<core_parallel>, #tpu.dimension_semantics<subcore_parallel>], iteration_bounds = array<i64: 2, 16>, scalar_prefetch = 0 : i64, scratch_operands = 6 : i64, tpu.core_type = #tpu.core_type<sc_vector_subcore>, window_params = [{transform_indices = #map}, {transform_indices = #map1}, {transform_indices = #map1}, {transform_indices = #map}]} {
    %mul3A = arith.constant 2 : i32
    %mul3A_0 = arith.muli %arg1, %mul3A : i32
    %add3A = arith.addi %mul3A_0, %arg0 : i32
    %mul3A_1 = arith.constant 640 : i32
    %mul3A_2 = arith.muli %arg1, %mul3A_1 : i32
    %scan3A = arith.constant 0 : i32
    %scan3A_3 = arith.constant 0 : i32
    %scan3A_4 = arith.constant 640 : i32
    %scan3A_5 = arith.addi %scan3A_3, %scan3A_4 : i32
    %scan3A_6 = arith.constant 1 : i32
    %scan3A_7 = scf.for %scan3A_20 = %scan3A_3 to %scan3A_5 step %scan3A_6 iter_args(%scan3A_21 = %scan3A) -> (i32)  : i32 {
      %broadcast_in_dim3A = arith.constant 0.000000e+00 : f32
      %broadcast_in_dim3A_22 = vector.broadcast %broadcast_in_dim3A : f32 to vector<16xf32>
      %swap3A = arith.index_cast %scan3A_20 : i32 to index
      %swap3A_23 = arith.constant 0 : index
      %swap3A_24 = tpu.vector_load %arg9[%swap3A, %swap3A_23] {strides = array<i32>} : memref<640x32xf32, #tpu.memory_space<vmem>>, vector<1x16xf32>,
      %swap3A_25 = vector.shape_cast %swap3A_24 : vector<1x16xf32> to vector<16xf32>
      %swap3A_26 = vector.shape_cast %broadcast_in_dim3A_22 : vector<16xf32> to vector<1x16xf32>
      tpu.vector_store %arg9[%swap3A, %swap3A_23], %swap3A_26 {strides = array<i32>} : memref<640x32xf32, #tpu.memory_space<vmem>>, vector<1x16xf32>,
      %broadcast_in_dim3A_27 = arith.constant 0.000000e+00 : f32
      %broadcast_in_dim3A_28 = vector.broadcast %broadcast_in_dim3A_27 : f32 to vector<16xf32>
      %swap3A_29 = arith.index_cast %scan3A_20 : i32 to index
      %swap3A_30 = arith.constant 16 : index
      %swap3A_31 = tpu.vector_load %arg9[%swap3A_29, %swap3A_30] {strides = array<i32>} : memref<640x32xf32, #tpu.memory_space<vmem>>, vector<1x16xf32>,
      %swap3A_32 = vector.shape_cast %swap3A_31 : vector<1x16xf32> to vector<16xf32>
      %swap3A_33 = vector.shape_cast %broadcast_in_dim3A_28 : vector<16xf32> to vector<1x16xf32>
      tpu.vector_store %arg9[%swap3A_29, %swap3A_30], %swap3A_33 {strides = array<i32>} : memref<640x32xf32, #tpu.memory_space<vmem>>, vector<1x16xf32>,
      %scan3A_34 = arith.constant 0 : i32
      scf.yield %scan3A_34 : i32
    }
    %scan3A_8 = arith.constant 640 : i32
    "tpu.region"() ({
      %run_scoped3A = tpu.sem_alloc : memref<!tpu.dma_semaphore, #tpu.memory_space<semaphore_mem>>
      %dma_start3A = arith.constant 0 : i32
      %dma_start3A_20 = tpu.memref_slice %arg10[%mul3A_2, %dma_start3A] : memref<10240x32xf32, #tpu.memory_space<vmem_shared>> -> memref<640x32xf32, #tpu.memory_space<vmem_shared>>
      %dma_start3A_21 = arith.constant 0 : i32
      %dma_start3A_22 = tpu.memref_slice %arg10[%mul3A_2, %dma_start3A_21] : memref<10240x32xf32, #tpu.memory_space<vmem_shared>> -> memref<640x32xf32, #tpu.memory_space<vmem_shared>>
      tpu.enqueue_dma source(%arg9 : memref<640x32xf32, #tpu.memory_space<vmem>>) target(%dma_start3A_22 : memref<640x32xf32, #tpu.memory_space<vmem_shared>>) target_semaphore(%run_scoped3A : memref<!tpu.dma_semaphore, #tpu.memory_space<semaphore_mem>>)
      %dma_wait3A = arith.constant 0 : i32
      %dma_wait3A_23 = tpu.memref_slice %arg10[%mul3A_2, %dma_wait3A] : memref<10240x32xf32, #tpu.memory_space<vmem_shared>> -> memref<640x32xf32, #tpu.memory_space<vmem_shared>>
      %dma_wait3A_24 = arith.constant 0 : i32
      %dma_wait3A_25 = tpu.memref_slice %arg10[%mul3A_2, %dma_wait3A_24] : memref<10240x32xf32, #tpu.memory_space<vmem_shared>> -> memref<640x32xf32, #tpu.memory_space<vmem_shared>>
      tpu.wait_dma2 semaphore(%run_scoped3A : memref<!tpu.dma_semaphore, #tpu.memory_space<semaphore_mem>>) src(%arg9 : memref<640x32xf32, #tpu.memory_space<vmem>>) dst(%dma_wait3A_25 : memref<640x32xf32, #tpu.memory_space<vmem_shared>>)
      tpu.yield
    }) : () -> ()
    %barrier3A = arith.constant 0 : index
    tpu.barrier barrier_id(%barrier3A)
    %scan3A_9 = arith.constant 0 : i32
    %scan3A_10 = arith.constant 0 : i32
    %scan3A_11 = arith.constant 40 : i32
    %scan3A_12 = arith.addi %scan3A_10, %scan3A_11 : i32
    %scan3A_13 = arith.constant 1 : i32
    %scan3A_14 = scf.for %scan3A_20 = %scan3A_10 to %scan3A_12 step %scan3A_13 iter_args(%scan3A_21 = %scan3A_9) -> (i32)  : i32 {
      %mul3A_22 = arith.constant 40 : i32
      %mul3A_23 = arith.muli %add3A, %mul3A_22 : i32
      %add3A_24 = arith.addi %mul3A_23, %scan3A_20 : i32
      %mul3A_25 = arith.constant 128 : i32
      %mul3A_26 = arith.muli %add3A_24, %mul3A_25 : i32
      "tpu.region"() ({
        %run_scoped3A = tpu.sem_alloc : memref<!tpu.dma_semaphore, #tpu.memory_space<semaphore_mem>>
        %dma_start3A_32 = tpu.memref_slice %arg3[%mul3A_26] : memref<163840xi32, #tpu.memory_space<hbm>> -> memref<128xi32, #tpu.memory_space<hbm>>
        %dma_start3A_33 = tpu.memref_slice %arg3[%mul3A_26] : memref<163840xi32, #tpu.memory_space<hbm>> -> memref<128xi32, #tpu.memory_space<hbm>>
        tpu.enqueue_dma source(%dma_start3A_33 : memref<128xi32, #tpu.memory_space<hbm>>) target(%arg6 : memref<128xi32, #tpu.memory_space<vmem>>) target_semaphore(%run_scoped3A : memref<!tpu.dma_semaphore, #tpu.memory_space<semaphore_mem>>)
        %dma_wait3A_34 = tpu.memref_slice %arg3[%mul3A_26] : memref<163840xi32, #tpu.memory_space<hbm>> -> memref<128xi32, #tpu.memory_space<hbm>>
        %dma_wait3A_35 = tpu.memref_slice %arg3[%mul3A_26] : memref<163840xi32, #tpu.memory_space<hbm>> -> memref<128xi32, #tpu.memory_space<hbm>>
        tpu.wait_dma2 semaphore(%run_scoped3A : memref<!tpu.dma_semaphore, #tpu.memory_space<semaphore_mem>>) src(%dma_wait3A_35 : memref<128xi32, #tpu.memory_space<hbm>>) dst(%arg6 : memref<128xi32, #tpu.memory_space<vmem>>)
        tpu.yield
      }) : () -> ()
      "tpu.region"() ({
        %run_scoped3A = tpu.sem_alloc : memref<!tpu.dma_semaphore, #tpu.memory_space<semaphore_mem>>
        %dma_start3A_32 = tpu.memref_slice %arg4[%mul3A_26] : memref<163840xi32, #tpu.memory_space<hbm>> -> memref<128xi32, #tpu.memory_space<hbm>>
        %dma_start3A_33 = tpu.memref_slice %arg4[%mul3A_26] : memref<163840xi32, #tpu.memory_space<hbm>> -> memref<128xi32, #tpu.memory_space<hbm>>
        tpu.enqueue_dma source(%dma_start3A_33 : memref<128xi32, #tpu.memory_space<hbm>>) target(%arg7 : memref<128xi32, #tpu.memory_space<vmem>>) target_semaphore(%run_scoped3A : memref<!tpu.dma_semaphore, #tpu.memory_space<semaphore_mem>>)
        %dma_wait3A_34 = tpu.memref_slice %arg4[%mul3A_26] : memref<163840xi32, #tpu.memory_space<hbm>> -> memref<128xi32, #tpu.memory_space<hbm>>
        %dma_wait3A_35 = tpu.memref_slice %arg4[%mul3A_26] : memref<163840xi32, #tpu.memory_space<hbm>> -> memref<128xi32, #tpu.memory_space<hbm>>
        tpu.wait_dma2 semaphore(%run_scoped3A : memref<!tpu.dma_semaphore, #tpu.memory_space<semaphore_mem>>) src(%dma_wait3A_35 : memref<128xi32, #tpu.memory_space<hbm>>) dst(%arg7 : memref<128xi32, #tpu.memory_space<vmem>>)
        tpu.yield
      }) : () -> ()
      %dma_start3A = arith.constant 0 : i32
      %dma_start3A_27 = arith.constant 0 : i32
      %dma_start3A_28 = tpu.memref_slice %arg2[%dma_start3A, %dma_start3A_27] : memref<10240x32xf32, #tpu.memory_space<hbm>> -> memref<10240x32xf32, #tpu.memory_space<hbm>>
      tpu.enqueue_indirect_dma source(%dma_start3A_28 : memref<10240x32xf32, #tpu.memory_space<hbm>>) target(%arg8 : memref<128x32xf32, #tpu.memory_space<vmem>>) offsets(%arg6 : memref<128xi32, #tpu.memory_space<vmem>>) semaphore(%arg11 : memref<!tpu.dma_semaphore, #tpu.memory_space<semaphore_mem>>)
      %dma_wait3A = arith.constant 0 : i32
      %dma_wait3A_29 = arith.constant 0 : i32
      %dma_wait3A_30 = tpu.memref_slice %arg2[%dma_wait3A, %dma_wait3A_29] : memref<10240x32xf32, #tpu.memory_space<hbm>> -> memref<10240x32xf32, #tpu.memory_space<hbm>>
      tpu.wait_indirect_dma semaphore(%arg11 : memref<!tpu.dma_semaphore, #tpu.memory_space<semaphore_mem>>) src(%dma_wait3A_30 : memref<10240x32xf32, #tpu.memory_space<hbm>>) dst(%arg8 : memref<128x32xf32, #tpu.memory_space<vmem>>)
      "tpu.region"() ({
        %run_scoped3A = tpu.sem_alloc : memref<!tpu.dma_semaphore, #tpu.memory_space<semaphore_mem>>
        %dma_start3A_32 = arith.constant 0 : i32
        %dma_start3A_33 = arith.constant 0 : i32
        %dma_start3A_34 = tpu.memref_slice %arg10[%dma_start3A_32, %dma_start3A_33] : memref<10240x32xf32, #tpu.memory_space<vmem_shared>> -> memref<10240x32xf32, #tpu.memory_space<vmem_shared>>
        tpu.enqueue_indirect_dma source(%arg8 : memref<128x32xf32, #tpu.memory_space<vmem>>) target(%dma_start3A_34 : memref<10240x32xf32, #tpu.memory_space<vmem_shared>>) offsets(%arg7 : memref<128xi32, #tpu.memory_space<vmem>>) semaphore(%run_scoped3A : memref<!tpu.dma_semaphore, #tpu.memory_space<semaphore_mem>>) {add = true}
        %dma_wait3A_35 = arith.constant 0 : i32
        %dma_wait3A_36 = arith.constant 0 : i32
        %dma_wait3A_37 = tpu.memref_slice %arg10[%dma_wait3A_35, %dma_wait3A_36] : memref<10240x32xf32, #tpu.memory_space<vmem_shared>> -> memref<10240x32xf32, #tpu.memory_space<vmem_shared>>
        tpu.wait_indirect_dma semaphore(%run_scoped3A : memref<!tpu.dma_semaphore, #tpu.memory_space<semaphore_mem>>) src(%arg8 : memref<128x32xf32, #tpu.memory_space<vmem>>) dst(%dma_wait3A_37 : memref<10240x32xf32, #tpu.memory_space<vmem_shared>>)
        tpu.yield
      }) : () -> ()
      %scan3A_31 = arith.constant 0 : i32
      scf.yield %scan3A_31 : i32
    }
    %scan3A_15 = arith.constant 40 : i32
    %barrier3A_16 = arith.constant 0 : index
    tpu.barrier barrier_id(%barrier3A_16)
    %mul3A_17 = arith.constant 10240 : i32
    %mul3A_18 = arith.muli %arg0, %mul3A_17 : i32
    %add3A_19 = arith.addi %mul3A_18, %mul3A_2 : i32
    "tpu.region"() ({
      %run_scoped3A = tpu.sem_alloc : memref<!tpu.dma_semaphore, #tpu.memory_space<semaphore_mem>>
      %dma_start3A = arith.constant 0 : i32
      %dma_start3A_20 = tpu.memref_slice %arg5[%add3A_19, %dma_start3A] : memref<20480x32xf32, #tpu.memory_space<hbm>> -> memref<640x32xf32, #tpu.memory_space<hbm>>
      %dma_start3A_21 = arith.constant 0 : i32
      %dma_start3A_22 = tpu.memref_slice %arg10[%mul3A_2, %dma_start3A_21] : memref<10240x32xf32, #tpu.memory_space<vmem_shared>> -> memref<640x32xf32, #tpu.memory_space<vmem_shared>>
      tpu.enqueue_dma source(%dma_start3A_22 : memref<640x32xf32, #tpu.memory_space<vmem_shared>>) target(%dma_start3A_20 : memref<640x32xf32, #tpu.memory_space<hbm>>) target_semaphore(%run_scoped3A : memref<!tpu.dma_semaphore, #tpu.memory_space<semaphore_mem>>)
      %dma_wait3A = arith.constant 0 : i32
      %dma_wait3A_23 = tpu.memref_slice %arg5[%add3A_19, %dma_wait3A] : memref<20480x32xf32, #tpu.memory_space<hbm>> -> memref<640x32xf32, #tpu.memory_space<hbm>>
      %dma_wait3A_24 = arith.constant 0 : i32
      %dma_wait3A_25 = tpu.memref_slice %arg10[%mul3A_2, %dma_wait3A_24] : memref<10240x32xf32, #tpu.memory_space<vmem_shared>> -> memref<640x32xf32, #tpu.memory_space<vmem_shared>>
      tpu.wait_dma2 semaphore(%run_scoped3A : memref<!tpu.dma_semaphore, #tpu.memory_space<semaphore_mem>>) src(%dma_wait3A_25 : memref<640x32xf32, #tpu.memory_space<vmem_shared>>) dst(%dma_wait3A_23 : memref<640x32xf32, #tpu.memory_space<hbm>>)
      tpu.yield
    }) : () -> ()
    return
  }
}

#map = affine_map<(d0, d1) -> (0, 0)>
#map1 = affine_map<(d0, d1) -> (0)>
module attributes {stable_mosaic.version = 14 : i64} {
  func.func @run(%arg0: i32, %arg1: i32, %arg2: memref<10240x32xf32, #tpu.memory_space<hbm>>, %arg3: memref<163840xi32, #tpu.memory_space<hbm>>, %arg4: memref<163840xi32, #tpu.memory_space<hbm>>, %arg5: memref<20480x32xf32, #tpu.memory_space<hbm>>, %arg6: memref<20480xf32, #tpu.memory_space<hbm>>, %arg7: memref<20480xf32, #tpu.memory_space<hbm>>, %arg8: memref<128xi32, #tpu.memory_space<vmem>>, %arg9: memref<128xi32, #tpu.memory_space<vmem>>, %arg10: memref<128x32xf32, #tpu.memory_space<vmem>>, %arg11: memref<640x32xf32, #tpu.memory_space<vmem>>, %arg12: memref<10240x32xf32, #tpu.memory_space<vmem_shared>>, %arg13: memref<!tpu.dma_semaphore, #tpu.memory_space<semaphore_mem>>, %arg14: memref<128xf32, #tpu.memory_space<vmem>>, %arg15: memref<640xf32, #tpu.memory_space<vmem>>, %arg16: memref<10240xf32, #tpu.memory_space<vmem_shared>>, %arg17: memref<10240xf32, #tpu.memory_space<vmem_shared>>) attributes {dimension_semantics = [#tpu.dimension_semantics<core_parallel>, #tpu.dimension_semantics<subcore_parallel>], iteration_bounds = array<i64: 2, 16>, scalar_prefetch = 0 : i64, scratch_operands = 10 : i64, tpu.core_type = #tpu.core_type<sc_vector_subcore>, window_params = [{transform_indices = #map}, {transform_indices = #map1}, {transform_indices = #map1}, {transform_indices = #map}, {transform_indices = #map1}, {transform_indices = #map1}]} {
    %mul3A = arith.constant 2 : i32
    %mul3A_0 = arith.muli %arg1, %mul3A : i32
    %add3A = arith.addi %mul3A_0, %arg0 : i32
    %mul3A_1 = arith.constant 640 : i32
    %mul3A_2 = arith.muli %arg1, %mul3A_1 : i32
    %scan3A = arith.constant 0 : i32
    %scan3A_3 = arith.constant 0 : i32
    %scan3A_4 = arith.constant 640 : i32
    %scan3A_5 = arith.addi %scan3A_3, %scan3A_4 : i32
    %scan3A_6 = arith.constant 1 : i32
    %scan3A_7 = scf.for %scan3A_27 = %scan3A_3 to %scan3A_5 step %scan3A_6 iter_args(%scan3A_28 = %scan3A) -> (i32)  : i32 {
      %broadcast_in_dim3A = arith.constant 0.000000e+00 : f32
      %broadcast_in_dim3A_29 = vector.broadcast %broadcast_in_dim3A : f32 to vector<16xf32>
      %swap3A = arith.index_cast %scan3A_27 : i32 to index
      %swap3A_30 = arith.constant 0 : index
      %swap3A_31 = tpu.vector_load %arg11[%swap3A, %swap3A_30] {strides = array<i32>} : memref<640x32xf32, #tpu.memory_space<vmem>>, vector<1x16xf32>,
      %swap3A_32 = vector.shape_cast %swap3A_31 : vector<1x16xf32> to vector<16xf32>
      %swap3A_33 = vector.shape_cast %broadcast_in_dim3A_29 : vector<16xf32> to vector<1x16xf32>
      tpu.vector_store %arg11[%swap3A, %swap3A_30], %swap3A_33 {strides = array<i32>} : memref<640x32xf32, #tpu.memory_space<vmem>>, vector<1x16xf32>,
      %broadcast_in_dim3A_34 = arith.constant 0.000000e+00 : f32
      %broadcast_in_dim3A_35 = vector.broadcast %broadcast_in_dim3A_34 : f32 to vector<16xf32>
      %swap3A_36 = arith.index_cast %scan3A_27 : i32 to index
      %swap3A_37 = arith.constant 16 : index
      %swap3A_38 = tpu.vector_load %arg11[%swap3A_36, %swap3A_37] {strides = array<i32>} : memref<640x32xf32, #tpu.memory_space<vmem>>, vector<1x16xf32>,
      %swap3A_39 = vector.shape_cast %swap3A_38 : vector<1x16xf32> to vector<16xf32>
      %swap3A_40 = vector.shape_cast %broadcast_in_dim3A_35 : vector<16xf32> to vector<1x16xf32>
      tpu.vector_store %arg11[%swap3A_36, %swap3A_37], %swap3A_40 {strides = array<i32>} : memref<640x32xf32, #tpu.memory_space<vmem>>, vector<1x16xf32>,
      %scan3A_41 = arith.constant 0 : i32
      scf.yield %scan3A_41 : i32
    }
    %scan3A_8 = arith.constant 640 : i32
    "tpu.region"() ({
      %run_scoped3A = tpu.sem_alloc : memref<!tpu.dma_semaphore, #tpu.memory_space<semaphore_mem>>
      %dma_start3A = arith.constant 0 : i32
      %dma_start3A_27 = tpu.memref_slice %arg12[%mul3A_2, %dma_start3A] : memref<10240x32xf32, #tpu.memory_space<vmem_shared>> -> memref<640x32xf32, #tpu.memory_space<vmem_shared>>
      %dma_start3A_28 = arith.constant 0 : i32
      %dma_start3A_29 = tpu.memref_slice %arg12[%mul3A_2, %dma_start3A_28] : memref<10240x32xf32, #tpu.memory_space<vmem_shared>> -> memref<640x32xf32, #tpu.memory_space<vmem_shared>>
      tpu.enqueue_dma source(%arg11 : memref<640x32xf32, #tpu.memory_space<vmem>>) target(%dma_start3A_29 : memref<640x32xf32, #tpu.memory_space<vmem_shared>>) target_semaphore(%run_scoped3A : memref<!tpu.dma_semaphore, #tpu.memory_space<semaphore_mem>>)
      %dma_wait3A = arith.constant 0 : i32
      %dma_wait3A_30 = tpu.memref_slice %arg12[%mul3A_2, %dma_wait3A] : memref<10240x32xf32, #tpu.memory_space<vmem_shared>> -> memref<640x32xf32, #tpu.memory_space<vmem_shared>>
      %dma_wait3A_31 = arith.constant 0 : i32
      %dma_wait3A_32 = tpu.memref_slice %arg12[%mul3A_2, %dma_wait3A_31] : memref<10240x32xf32, #tpu.memory_space<vmem_shared>> -> memref<640x32xf32, #tpu.memory_space<vmem_shared>>
      tpu.wait_dma2 semaphore(%run_scoped3A : memref<!tpu.dma_semaphore, #tpu.memory_space<semaphore_mem>>) src(%arg11 : memref<640x32xf32, #tpu.memory_space<vmem>>) dst(%dma_wait3A_32 : memref<640x32xf32, #tpu.memory_space<vmem_shared>>)
      tpu.yield
    }) : () -> ()
    %scan3A_9 = arith.constant 0 : i32
    %scan3A_10 = arith.constant 0 : i32
    %scan3A_11 = arith.constant 40 : i32
    %scan3A_12 = arith.addi %scan3A_10, %scan3A_11 : i32
    %scan3A_13 = arith.constant 1 : i32
    %scan3A_14 = scf.for %scan3A_27 = %scan3A_10 to %scan3A_12 step %scan3A_13 iter_args(%scan3A_28 = %scan3A_9) -> (i32)  : i32 {
      %broadcast_in_dim3A = arith.constant 0.000000e+00 : f32
      %broadcast_in_dim3A_29 = vector.broadcast %broadcast_in_dim3A : f32 to vector<16xf32>
      %mul3A_30 = arith.constant 16 : i32
      %mul3A_31 = arith.muli %scan3A_27, %mul3A_30 : i32
      %swap3A = arith.index_cast %mul3A_31 : i32 to index
      %swap3A_32 = tpu.vector_load %arg15[%swap3A] {strides = array<i32>} : memref<640xf32, #tpu.memory_space<vmem>>, vector<16xf32>,
      %swap3A_33 = vector.shape_cast %swap3A_32 : vector<16xf32> to vector<16xf32>
      %swap3A_34 = vector.shape_cast %broadcast_in_dim3A_29 : vector<16xf32> to vector<16xf32>
      tpu.vector_store %arg15[%swap3A], %swap3A_34 {strides = array<i32>} : memref<640xf32, #tpu.memory_space<vmem>>, vector<16xf32>,
      %broadcast_in_dim3A_35 = arith.constant 1.000000e+00 : f32
      %broadcast_in_dim3A_36 = vector.broadcast %broadcast_in_dim3A_35 : f32 to vector<16xf32>
      %jit3A = arith.constant 8 : i32
      %eq3A = arith.constant 0 : i32
      %eq3A_37 = arith.cmpi eq, %jit3A, %eq3A : i32
      %jit3A_38 = arith.constant 1 : i32
      %select_n3A = arith.select %eq3A_37, %jit3A_38, %jit3A : i32
      %rem3A = arith.remsi %scan3A_27, %select_n3A : i32
      %ne3A = arith.constant 0 : i32
      %ne3A_39 = arith.cmpi ne, %rem3A, %ne3A : i32
      %lt3A = arith.constant 0 : i32
      %lt3A_40 = arith.cmpi slt, %rem3A, %lt3A : i32
      %lt3A_41 = arith.constant 0 : i32
      %lt3A_42 = arith.cmpi slt, %select_n3A, %lt3A_41 : i32
      %ne3A_43 = arith.xori %lt3A_40, %lt3A_42 : i1
      %and3A = arith.andi %ne3A_43, %ne3A_39 : i1
      %add3A_44 = arith.addi %rem3A, %select_n3A : i32
      %select_n3A_45 = arith.select %and3A, %add3A_44, %rem3A : i32
      %mul3A_46 = arith.constant 16 : i32
      %mul3A_47 = arith.muli %select_n3A_45, %mul3A_46 : i32
      %swap3A_48 = arith.index_cast %mul3A_47 : i32 to index
      %swap3A_49 = tpu.vector_load %arg14[%swap3A_48] {strides = array<i32>} : memref<128xf32, #tpu.memory_space<vmem>>, vector<16xf32>,
      %swap3A_50 = vector.shape_cast %swap3A_49 : vector<16xf32> to vector<16xf32>
      %swap3A_51 = vector.shape_cast %broadcast_in_dim3A_36 : vector<16xf32> to vector<16xf32>
      tpu.vector_store %arg14[%swap3A_48], %swap3A_51 {strides = array<i32>} : memref<128xf32, #tpu.memory_space<vmem>>, vector<16xf32>,
      %scan3A_52 = arith.constant 0 : i32
      scf.yield %scan3A_52 : i32
    }
    %scan3A_15 = arith.constant 40 : i32
    "tpu.region"() ({
      %run_scoped3A = tpu.sem_alloc : memref<!tpu.dma_semaphore, #tpu.memory_space<semaphore_mem>>
      %dma_start3A = tpu.memref_slice %arg16[%mul3A_2] : memref<10240xf32, #tpu.memory_space<vmem_shared>> -> memref<640xf32, #tpu.memory_space<vmem_shared>>
      %dma_start3A_27 = tpu.memref_slice %arg16[%mul3A_2] : memref<10240xf32, #tpu.memory_space<vmem_shared>> -> memref<640xf32, #tpu.memory_space<vmem_shared>>
      tpu.enqueue_dma source(%arg15 : memref<640xf32, #tpu.memory_space<vmem>>) target(%dma_start3A_27 : memref<640xf32, #tpu.memory_space<vmem_shared>>) target_semaphore(%run_scoped3A : memref<!tpu.dma_semaphore, #tpu.memory_space<semaphore_mem>>)
      %dma_wait3A = tpu.memref_slice %arg16[%mul3A_2] : memref<10240xf32, #tpu.memory_space<vmem_shared>> -> memref<640xf32, #tpu.memory_space<vmem_shared>>
      %dma_wait3A_28 = tpu.memref_slice %arg16[%mul3A_2] : memref<10240xf32, #tpu.memory_space<vmem_shared>> -> memref<640xf32, #tpu.memory_space<vmem_shared>>
      tpu.wait_dma2 semaphore(%run_scoped3A : memref<!tpu.dma_semaphore, #tpu.memory_space<semaphore_mem>>) src(%arg15 : memref<640xf32, #tpu.memory_space<vmem>>) dst(%dma_wait3A_28 : memref<640xf32, #tpu.memory_space<vmem_shared>>)
      tpu.yield
    }) : () -> ()
    "tpu.region"() ({
      %run_scoped3A = tpu.sem_alloc : memref<!tpu.dma_semaphore, #tpu.memory_space<semaphore_mem>>
      %dma_start3A = tpu.memref_slice %arg17[%mul3A_2] : memref<10240xf32, #tpu.memory_space<vmem_shared>> -> memref<640xf32, #tpu.memory_space<vmem_shared>>
      %dma_start3A_27 = tpu.memref_slice %arg17[%mul3A_2] : memref<10240xf32, #tpu.memory_space<vmem_shared>> -> memref<640xf32, #tpu.memory_space<vmem_shared>>
      tpu.enqueue_dma source(%arg15 : memref<640xf32, #tpu.memory_space<vmem>>) target(%dma_start3A_27 : memref<640xf32, #tpu.memory_space<vmem_shared>>) target_semaphore(%run_scoped3A : memref<!tpu.dma_semaphore, #tpu.memory_space<semaphore_mem>>)
      %dma_wait3A = tpu.memref_slice %arg17[%mul3A_2] : memref<10240xf32, #tpu.memory_space<vmem_shared>> -> memref<640xf32, #tpu.memory_space<vmem_shared>>
      %dma_wait3A_28 = tpu.memref_slice %arg17[%mul3A_2] : memref<10240xf32, #tpu.memory_space<vmem_shared>> -> memref<640xf32, #tpu.memory_space<vmem_shared>>
      tpu.wait_dma2 semaphore(%run_scoped3A : memref<!tpu.dma_semaphore, #tpu.memory_space<semaphore_mem>>) src(%arg15 : memref<640xf32, #tpu.memory_space<vmem>>) dst(%dma_wait3A_28 : memref<640xf32, #tpu.memory_space<vmem_shared>>)
      tpu.yield
    }) : () -> ()
    %barrier3A = arith.constant 0 : index
    tpu.barrier barrier_id(%barrier3A)
    %scan3A_16 = arith.constant 0 : i32
    %scan3A_17 = arith.constant 0 : i32
    %scan3A_18 = arith.constant 40 : i32
    %scan3A_19 = arith.addi %scan3A_17, %scan3A_18 : i32
    %scan3A_20 = arith.constant 1 : i32
    %scan3A_21 = scf.for %scan3A_27 = %scan3A_17 to %scan3A_19 step %scan3A_20 iter_args(%scan3A_28 = %scan3A_16) -> (i32)  : i32 {
      %mul3A_29 = arith.constant 40 : i32
      %mul3A_30 = arith.muli %add3A, %mul3A_29 : i32
      %add3A_31 = arith.addi %mul3A_30, %scan3A_27 : i32
      %mul3A_32 = arith.constant 128 : i32
      %mul3A_33 = arith.muli %add3A_31, %mul3A_32 : i32
      "tpu.region"() ({
        %run_scoped3A = tpu.sem_alloc : memref<!tpu.dma_semaphore, #tpu.memory_space<semaphore_mem>>
        %dma_start3A_39 = tpu.memref_slice %arg3[%mul3A_33] : memref<163840xi32, #tpu.memory_space<hbm>> -> memref<128xi32, #tpu.memory_space<hbm>>
        %dma_start3A_40 = tpu.memref_slice %arg3[%mul3A_33] : memref<163840xi32, #tpu.memory_space<hbm>> -> memref<128xi32, #tpu.memory_space<hbm>>
        tpu.enqueue_dma source(%dma_start3A_40 : memref<128xi32, #tpu.memory_space<hbm>>) target(%arg8 : memref<128xi32, #tpu.memory_space<vmem>>) target_semaphore(%run_scoped3A : memref<!tpu.dma_semaphore, #tpu.memory_space<semaphore_mem>>)
        %dma_wait3A_41 = tpu.memref_slice %arg3[%mul3A_33] : memref<163840xi32, #tpu.memory_space<hbm>> -> memref<128xi32, #tpu.memory_space<hbm>>
        %dma_wait3A_42 = tpu.memref_slice %arg3[%mul3A_33] : memref<163840xi32, #tpu.memory_space<hbm>> -> memref<128xi32, #tpu.memory_space<hbm>>
        tpu.wait_dma2 semaphore(%run_scoped3A : memref<!tpu.dma_semaphore, #tpu.memory_space<semaphore_mem>>) src(%dma_wait3A_42 : memref<128xi32, #tpu.memory_space<hbm>>) dst(%arg8 : memref<128xi32, #tpu.memory_space<vmem>>)
        tpu.yield
      }) : () -> ()
      "tpu.region"() ({
        %run_scoped3A = tpu.sem_alloc : memref<!tpu.dma_semaphore, #tpu.memory_space<semaphore_mem>>
        %dma_start3A_39 = tpu.memref_slice %arg4[%mul3A_33] : memref<163840xi32, #tpu.memory_space<hbm>> -> memref<128xi32, #tpu.memory_space<hbm>>
        %dma_start3A_40 = tpu.memref_slice %arg4[%mul3A_33] : memref<163840xi32, #tpu.memory_space<hbm>> -> memref<128xi32, #tpu.memory_space<hbm>>
        tpu.enqueue_dma source(%dma_start3A_40 : memref<128xi32, #tpu.memory_space<hbm>>) target(%arg9 : memref<128xi32, #tpu.memory_space<vmem>>) target_semaphore(%run_scoped3A : memref<!tpu.dma_semaphore, #tpu.memory_space<semaphore_mem>>)
        %dma_wait3A_41 = tpu.memref_slice %arg4[%mul3A_33] : memref<163840xi32, #tpu.memory_space<hbm>> -> memref<128xi32, #tpu.memory_space<hbm>>
        %dma_wait3A_42 = tpu.memref_slice %arg4[%mul3A_33] : memref<163840xi32, #tpu.memory_space<hbm>> -> memref<128xi32, #tpu.memory_space<hbm>>
        tpu.wait_dma2 semaphore(%run_scoped3A : memref<!tpu.dma_semaphore, #tpu.memory_space<semaphore_mem>>) src(%dma_wait3A_42 : memref<128xi32, #tpu.memory_space<hbm>>) dst(%arg9 : memref<128xi32, #tpu.memory_space<vmem>>)
        tpu.yield
      }) : () -> ()
      %dma_start3A = arith.constant 0 : i32
      %dma_start3A_34 = arith.constant 0 : i32
      %dma_start3A_35 = tpu.memref_slice %arg2[%dma_start3A, %dma_start3A_34] : memref<10240x32xf32, #tpu.memory_space<hbm>> -> memref<10240x32xf32, #tpu.memory_space<hbm>>
      tpu.enqueue_indirect_dma source(%dma_start3A_35 : memref<10240x32xf32, #tpu.memory_space<hbm>>) target(%arg10 : memref<128x32xf32, #tpu.memory_space<vmem>>) offsets(%arg8 : memref<128xi32, #tpu.memory_space<vmem>>) semaphore(%arg13 : memref<!tpu.dma_semaphore, #tpu.memory_space<semaphore_mem>>)
      %dma_wait3A = arith.constant 0 : i32
      %dma_wait3A_36 = arith.constant 0 : i32
      %dma_wait3A_37 = tpu.memref_slice %arg2[%dma_wait3A, %dma_wait3A_36] : memref<10240x32xf32, #tpu.memory_space<hbm>> -> memref<10240x32xf32, #tpu.memory_space<hbm>>
      tpu.wait_indirect_dma semaphore(%arg13 : memref<!tpu.dma_semaphore, #tpu.memory_space<semaphore_mem>>) src(%dma_wait3A_37 : memref<10240x32xf32, #tpu.memory_space<hbm>>) dst(%arg10 : memref<128x32xf32, #tpu.memory_space<vmem>>)
      "tpu.region"() ({
        %run_scoped3A = tpu.sem_alloc : memref<!tpu.dma_semaphore, #tpu.memory_space<semaphore_mem>>
        %dma_start3A_39 = arith.constant 0 : i32
        %dma_start3A_40 = arith.constant 0 : i32
        %dma_start3A_41 = tpu.memref_slice %arg12[%dma_start3A_39, %dma_start3A_40] : memref<10240x32xf32, #tpu.memory_space<vmem_shared>> -> memref<10240x32xf32, #tpu.memory_space<vmem_shared>>
        tpu.enqueue_indirect_dma source(%arg10 : memref<128x32xf32, #tpu.memory_space<vmem>>) target(%dma_start3A_41 : memref<10240x32xf32, #tpu.memory_space<vmem_shared>>) offsets(%arg9 : memref<128xi32, #tpu.memory_space<vmem>>) semaphore(%run_scoped3A : memref<!tpu.dma_semaphore, #tpu.memory_space<semaphore_mem>>) {add = true}
        %dma_wait3A_42 = arith.constant 0 : i32
        %dma_wait3A_43 = arith.constant 0 : i32
        %dma_wait3A_44 = tpu.memref_slice %arg12[%dma_wait3A_42, %dma_wait3A_43] : memref<10240x32xf32, #tpu.memory_space<vmem_shared>> -> memref<10240x32xf32, #tpu.memory_space<vmem_shared>>
        tpu.wait_indirect_dma semaphore(%run_scoped3A : memref<!tpu.dma_semaphore, #tpu.memory_space<semaphore_mem>>) src(%arg10 : memref<128x32xf32, #tpu.memory_space<vmem>>) dst(%dma_wait3A_44 : memref<10240x32xf32, #tpu.memory_space<vmem_shared>>)
        tpu.yield
      }) : () -> ()
      "tpu.region"() ({
        %run_scoped3A = tpu.sem_alloc : memref<!tpu.dma_semaphore, #tpu.memory_space<semaphore_mem>>
        %dma_start3A_39 = arith.constant 0 : i32
        %dma_start3A_40 = tpu.memref_slice %arg16[%dma_start3A_39] : memref<10240xf32, #tpu.memory_space<vmem_shared>> -> memref<10240xf32, #tpu.memory_space<vmem_shared>>
        tpu.enqueue_indirect_dma source(%arg14 : memref<128xf32, #tpu.memory_space<vmem>>) target(%dma_start3A_40 : memref<10240xf32, #tpu.memory_space<vmem_shared>>) offsets(%arg8 : memref<128xi32, #tpu.memory_space<vmem>>) semaphore(%run_scoped3A : memref<!tpu.dma_semaphore, #tpu.memory_space<semaphore_mem>>) {add = true}
        %dma_wait3A_41 = arith.constant 0 : i32
        %dma_wait3A_42 = tpu.memref_slice %arg16[%dma_wait3A_41] : memref<10240xf32, #tpu.memory_space<vmem_shared>> -> memref<10240xf32, #tpu.memory_space<vmem_shared>>
        tpu.wait_indirect_dma semaphore(%run_scoped3A : memref<!tpu.dma_semaphore, #tpu.memory_space<semaphore_mem>>) src(%arg14 : memref<128xf32, #tpu.memory_space<vmem>>) dst(%dma_wait3A_42 : memref<10240xf32, #tpu.memory_space<vmem_shared>>)
        tpu.yield
      }) : () -> ()
      "tpu.region"() ({
        %run_scoped3A = tpu.sem_alloc : memref<!tpu.dma_semaphore, #tpu.memory_space<semaphore_mem>>
        %dma_start3A_39 = arith.constant 0 : i32
        %dma_start3A_40 = tpu.memref_slice %arg17[%dma_start3A_39] : memref<10240xf32, #tpu.memory_space<vmem_shared>> -> memref<10240xf32, #tpu.memory_space<vmem_shared>>
        tpu.enqueue_indirect_dma source(%arg14 : memref<128xf32, #tpu.memory_space<vmem>>) target(%dma_start3A_40 : memref<10240xf32, #tpu.memory_space<vmem_shared>>) offsets(%arg9 : memref<128xi32, #tpu.memory_space<vmem>>) semaphore(%run_scoped3A : memref<!tpu.dma_semaphore, #tpu.memory_space<semaphore_mem>>) {add = true}
        %dma_wait3A_41 = arith.constant 0 : i32
        %dma_wait3A_42 = tpu.memref_slice %arg17[%dma_wait3A_41] : memref<10240xf32, #tpu.memory_space<vmem_shared>> -> memref<10240xf32, #tpu.memory_space<vmem_shared>>
        tpu.wait_indirect_dma semaphore(%run_scoped3A : memref<!tpu.dma_semaphore, #tpu.memory_space<semaphore_mem>>) src(%arg14 : memref<128xf32, #tpu.memory_space<vmem>>) dst(%dma_wait3A_42 : memref<10240xf32, #tpu.memory_space<vmem_shared>>)
        tpu.yield
      }) : () -> ()
      %scan3A_38 = arith.constant 0 : i32
      scf.yield %scan3A_38 : i32
    }
    %scan3A_22 = arith.constant 40 : i32
    %barrier3A_23 = arith.constant 0 : index
    tpu.barrier barrier_id(%barrier3A_23)
    %mul3A_24 = arith.constant 10240 : i32
    %mul3A_25 = arith.muli %arg0, %mul3A_24 : i32
    %add3A_26 = arith.addi %mul3A_25, %mul3A_2 : i32
    "tpu.region"() ({
      %run_scoped3A = tpu.sem_alloc : memref<!tpu.dma_semaphore, #tpu.memory_space<semaphore_mem>>
      %dma_start3A = arith.constant 0 : i32
      %dma_start3A_27 = tpu.memref_slice %arg5[%add3A_26, %dma_start3A] : memref<20480x32xf32, #tpu.memory_space<hbm>> -> memref<640x32xf32, #tpu.memory_space<hbm>>
      %dma_start3A_28 = arith.constant 0 : i32
      %dma_start3A_29 = tpu.memref_slice %arg12[%mul3A_2, %dma_start3A_28] : memref<10240x32xf32, #tpu.memory_space<vmem_shared>> -> memref<640x32xf32, #tpu.memory_space<vmem_shared>>
      tpu.enqueue_dma source(%dma_start3A_29 : memref<640x32xf32, #tpu.memory_space<vmem_shared>>) target(%dma_start3A_27 : memref<640x32xf32, #tpu.memory_space<hbm>>) target_semaphore(%run_scoped3A : memref<!tpu.dma_semaphore, #tpu.memory_space<semaphore_mem>>)
      %dma_wait3A = arith.constant 0 : i32
      %dma_wait3A_30 = tpu.memref_slice %arg5[%add3A_26, %dma_wait3A] : memref<20480x32xf32, #tpu.memory_space<hbm>> -> memref<640x32xf32, #tpu.memory_space<hbm>>
      %dma_wait3A_31 = arith.constant 0 : i32
      %dma_wait3A_32 = tpu.memref_slice %arg12[%mul3A_2, %dma_wait3A_31] : memref<10240x32xf32, #tpu.memory_space<vmem_shared>> -> memref<640x32xf32, #tpu.memory_space<vmem_shared>>
      tpu.wait_dma2 semaphore(%run_scoped3A : memref<!tpu.dma_semaphore, #tpu.memory_space<semaphore_mem>>) src(%dma_wait3A_32 : memref<640x32xf32, #tpu.memory_space<vmem_shared>>) dst(%dma_wait3A_30 : memref<640x32xf32, #tpu.memory_space<hbm>>)
      tpu.yield
    }) : () -> ()
    "tpu.region"() ({
      %run_scoped3A = tpu.sem_alloc : memref<!tpu.dma_semaphore, #tpu.memory_space<semaphore_mem>>
      %dma_start3A = tpu.memref_slice %arg6[%add3A_26] : memref<20480xf32, #tpu.memory_space<hbm>> -> memref<640xf32, #tpu.memory_space<hbm>>
      %dma_start3A_27 = tpu.memref_slice %arg16[%mul3A_2] : memref<10240xf32, #tpu.memory_space<vmem_shared>> -> memref<640xf32, #tpu.memory_space<vmem_shared>>
      tpu.enqueue_dma source(%dma_start3A_27 : memref<640xf32, #tpu.memory_space<vmem_shared>>) target(%dma_start3A : memref<640xf32, #tpu.memory_space<hbm>>) target_semaphore(%run_scoped3A : memref<!tpu.dma_semaphore, #tpu.memory_space<semaphore_mem>>)
      %dma_wait3A = tpu.memref_slice %arg6[%add3A_26] : memref<20480xf32, #tpu.memory_space<hbm>> -> memref<640xf32, #tpu.memory_space<hbm>>
      %dma_wait3A_28 = tpu.memref_slice %arg16[%mul3A_2] : memref<10240xf32, #tpu.memory_space<vmem_shared>> -> memref<640xf32, #tpu.memory_space<vmem_shared>>
      tpu.wait_dma2 semaphore(%run_scoped3A : memref<!tpu.dma_semaphore, #tpu.memory_space<semaphore_mem>>) src(%dma_wait3A_28 : memref<640xf32, #tpu.memory_space<vmem_shared>>) dst(%dma_wait3A : memref<640xf32, #tpu.memory_space<hbm>>)
      tpu.yield
    }) : () -> ()
    "tpu.region"() ({
      %run_scoped3A = tpu.sem_alloc : memref<!tpu.dma_semaphore, #tpu.memory_space<semaphore_mem>>
      %dma_start3A = tpu.memref_slice %arg7[%add3A_26] : memref<20480xf32, #tpu.memory_space<hbm>> -> memref<640xf32, #tpu.memory_space<hbm>>
      %dma_start3A_27 = tpu.memref_slice %arg17[%mul3A_2] : memref<10240xf32, #tpu.memory_space<vmem_shared>> -> memref<640xf32, #tpu.memory_space<vmem_shared>>
      tpu.enqueue_dma source(%dma_start3A_27 : memref<640xf32, #tpu.memory_space<vmem_shared>>) target(%dma_start3A : memref<640xf32, #tpu.memory_space<hbm>>) target_semaphore(%run_scoped3A : memref<!tpu.dma_semaphore, #tpu.memory_space<semaphore_mem>>)
      %dma_wait3A = tpu.memref_slice %arg7[%add3A_26] : memref<20480xf32, #tpu.memory_space<hbm>> -> memref<640xf32, #tpu.memory_space<hbm>>
      %dma_wait3A_28 = tpu.memref_slice %arg17[%mul3A_2] : memref<10240xf32, #tpu.memory_space<vmem_shared>> -> memref<640xf32, #tpu.memory_space<vmem_shared>>
      tpu.wait_dma2 semaphore(%run_scoped3A : memref<!tpu.dma_semaphore, #tpu.memory_space<semaphore_mem>>) src(%dma_wait3A_28 : memref<640xf32, #tpu.memory_space<vmem_shared>>) dst(%dma_wait3A : memref<640xf32, #tpu.memory_space<hbm>>)
      tpu.yield
    }) : () -> ()
    return
  }
}

#map = affine_map<(d0, d1) -> (0, 0)>
#map1 = affine_map<(d0, d1) -> (0)>
module attributes {stable_mosaic.version = 14 : i64} {
  func.func @run(%arg0: i32, %arg1: i32, %arg2: memref<10240x16xf32, #tpu.memory_space<hbm>>, %arg3: memref<163840xi32, #tpu.memory_space<hbm>>, %arg4: memref<163840xi32, #tpu.memory_space<hbm>>, %arg5: memref<20480x16xf32, #tpu.memory_space<hbm>>, %arg6: memref<128xi32, #tpu.memory_space<vmem>>, %arg7: memref<128xi32, #tpu.memory_space<vmem>>, %arg8: memref<128x16xf32, #tpu.memory_space<vmem>>, %arg9: memref<640x16xf32, #tpu.memory_space<vmem>>, %arg10: memref<10240x16xf32, #tpu.memory_space<vmem_shared>>, %arg11: memref<!tpu.dma_semaphore, #tpu.memory_space<semaphore_mem>>) attributes {dimension_semantics = [#tpu.dimension_semantics<core_parallel>, #tpu.dimension_semantics<subcore_parallel>], iteration_bounds = array<i64: 2, 16>, scalar_prefetch = 0 : i64, scratch_operands = 6 : i64, tpu.core_type = #tpu.core_type<sc_vector_subcore>, window_params = [{transform_indices = #map}, {transform_indices = #map1}, {transform_indices = #map1}, {transform_indices = #map}]} {
    %mul3A = arith.constant 2 : i32
    %mul3A_0 = arith.muli %arg1, %mul3A : i32
    %add3A = arith.addi %mul3A_0, %arg0 : i32
    %mul3A_1 = arith.constant 640 : i32
    %mul3A_2 = arith.muli %arg1, %mul3A_1 : i32
    %scan3A = arith.constant 0 : i32
    %scan3A_3 = arith.constant 0 : i32
    %scan3A_4 = arith.constant 640 : i32
    %scan3A_5 = arith.addi %scan3A_3, %scan3A_4 : i32
    %scan3A_6 = arith.constant 1 : i32
    %scan3A_7 = scf.for %scan3A_20 = %scan3A_3 to %scan3A_5 step %scan3A_6 iter_args(%scan3A_21 = %scan3A) -> (i32)  : i32 {
      %broadcast_in_dim3A = arith.constant 0.000000e+00 : f32
      %broadcast_in_dim3A_22 = vector.broadcast %broadcast_in_dim3A : f32 to vector<16xf32>
      %swap3A = arith.index_cast %scan3A_20 : i32 to index
      %swap3A_23 = arith.constant 0 : index
      %swap3A_24 = tpu.vector_load %arg9[%swap3A, %swap3A_23] {strides = array<i32>} : memref<640x16xf32, #tpu.memory_space<vmem>>, vector<1x16xf32>,
      %swap3A_25 = vector.shape_cast %swap3A_24 : vector<1x16xf32> to vector<16xf32>
      %swap3A_26 = vector.shape_cast %broadcast_in_dim3A_22 : vector<16xf32> to vector<1x16xf32>
      tpu.vector_store %arg9[%swap3A, %swap3A_23], %swap3A_26 {strides = array<i32>} : memref<640x16xf32, #tpu.memory_space<vmem>>, vector<1x16xf32>,
      %scan3A_27 = arith.constant 0 : i32
      scf.yield %scan3A_27 : i32
    }
    %scan3A_8 = arith.constant 640 : i32
    "tpu.region"() ({
      %run_scoped3A = tpu.sem_alloc : memref<!tpu.dma_semaphore, #tpu.memory_space<semaphore_mem>>
      %dma_start3A = arith.constant 0 : i32
      %dma_start3A_20 = tpu.memref_slice %arg10[%mul3A_2, %dma_start3A] : memref<10240x16xf32, #tpu.memory_space<vmem_shared>> -> memref<640x16xf32, #tpu.memory_space<vmem_shared>>
      %dma_start3A_21 = arith.constant 0 : i32
      %dma_start3A_22 = tpu.memref_slice %arg10[%mul3A_2, %dma_start3A_21] : memref<10240x16xf32, #tpu.memory_space<vmem_shared>> -> memref<640x16xf32, #tpu.memory_space<vmem_shared>>
      tpu.enqueue_dma source(%arg9 : memref<640x16xf32, #tpu.memory_space<vmem>>) target(%dma_start3A_22 : memref<640x16xf32, #tpu.memory_space<vmem_shared>>) target_semaphore(%run_scoped3A : memref<!tpu.dma_semaphore, #tpu.memory_space<semaphore_mem>>)
      %dma_wait3A = arith.constant 0 : i32
      %dma_wait3A_23 = tpu.memref_slice %arg10[%mul3A_2, %dma_wait3A] : memref<10240x16xf32, #tpu.memory_space<vmem_shared>> -> memref<640x16xf32, #tpu.memory_space<vmem_shared>>
      %dma_wait3A_24 = arith.constant 0 : i32
      %dma_wait3A_25 = tpu.memref_slice %arg10[%mul3A_2, %dma_wait3A_24] : memref<10240x16xf32, #tpu.memory_space<vmem_shared>> -> memref<640x16xf32, #tpu.memory_space<vmem_shared>>
      tpu.wait_dma2 semaphore(%run_scoped3A : memref<!tpu.dma_semaphore, #tpu.memory_space<semaphore_mem>>) src(%arg9 : memref<640x16xf32, #tpu.memory_space<vmem>>) dst(%dma_wait3A_25 : memref<640x16xf32, #tpu.memory_space<vmem_shared>>)
      tpu.yield
    }) : () -> ()
    %barrier3A = arith.constant 0 : index
    tpu.barrier barrier_id(%barrier3A)
    %scan3A_9 = arith.constant 0 : i32
    %scan3A_10 = arith.constant 0 : i32
    %scan3A_11 = arith.constant 40 : i32
    %scan3A_12 = arith.addi %scan3A_10, %scan3A_11 : i32
    %scan3A_13 = arith.constant 1 : i32
    %scan3A_14 = scf.for %scan3A_20 = %scan3A_10 to %scan3A_12 step %scan3A_13 iter_args(%scan3A_21 = %scan3A_9) -> (i32)  : i32 {
      %mul3A_22 = arith.constant 40 : i32
      %mul3A_23 = arith.muli %add3A, %mul3A_22 : i32
      %add3A_24 = arith.addi %mul3A_23, %scan3A_20 : i32
      %mul3A_25 = arith.constant 128 : i32
      %mul3A_26 = arith.muli %add3A_24, %mul3A_25 : i32
      "tpu.region"() ({
        %run_scoped3A = tpu.sem_alloc : memref<!tpu.dma_semaphore, #tpu.memory_space<semaphore_mem>>
        %dma_start3A_32 = tpu.memref_slice %arg3[%mul3A_26] : memref<163840xi32, #tpu.memory_space<hbm>> -> memref<128xi32, #tpu.memory_space<hbm>>
        %dma_start3A_33 = tpu.memref_slice %arg3[%mul3A_26] : memref<163840xi32, #tpu.memory_space<hbm>> -> memref<128xi32, #tpu.memory_space<hbm>>
        tpu.enqueue_dma source(%dma_start3A_33 : memref<128xi32, #tpu.memory_space<hbm>>) target(%arg6 : memref<128xi32, #tpu.memory_space<vmem>>) target_semaphore(%run_scoped3A : memref<!tpu.dma_semaphore, #tpu.memory_space<semaphore_mem>>)
        %dma_wait3A_34 = tpu.memref_slice %arg3[%mul3A_26] : memref<163840xi32, #tpu.memory_space<hbm>> -> memref<128xi32, #tpu.memory_space<hbm>>
        %dma_wait3A_35 = tpu.memref_slice %arg3[%mul3A_26] : memref<163840xi32, #tpu.memory_space<hbm>> -> memref<128xi32, #tpu.memory_space<hbm>>
        tpu.wait_dma2 semaphore(%run_scoped3A : memref<!tpu.dma_semaphore, #tpu.memory_space<semaphore_mem>>) src(%dma_wait3A_35 : memref<128xi32, #tpu.memory_space<hbm>>) dst(%arg6 : memref<128xi32, #tpu.memory_space<vmem>>)
        tpu.yield
      }) : () -> ()
      "tpu.region"() ({
        %run_scoped3A = tpu.sem_alloc : memref<!tpu.dma_semaphore, #tpu.memory_space<semaphore_mem>>
        %dma_start3A_32 = tpu.memref_slice %arg4[%mul3A_26] : memref<163840xi32, #tpu.memory_space<hbm>> -> memref<128xi32, #tpu.memory_space<hbm>>
        %dma_start3A_33 = tpu.memref_slice %arg4[%mul3A_26] : memref<163840xi32, #tpu.memory_space<hbm>> -> memref<128xi32, #tpu.memory_space<hbm>>
        tpu.enqueue_dma source(%dma_start3A_33 : memref<128xi32, #tpu.memory_space<hbm>>) target(%arg7 : memref<128xi32, #tpu.memory_space<vmem>>) target_semaphore(%run_scoped3A : memref<!tpu.dma_semaphore, #tpu.memory_space<semaphore_mem>>)
        %dma_wait3A_34 = tpu.memref_slice %arg4[%mul3A_26] : memref<163840xi32, #tpu.memory_space<hbm>> -> memref<128xi32, #tpu.memory_space<hbm>>
        %dma_wait3A_35 = tpu.memref_slice %arg4[%mul3A_26] : memref<163840xi32, #tpu.memory_space<hbm>> -> memref<128xi32, #tpu.memory_space<hbm>>
        tpu.wait_dma2 semaphore(%run_scoped3A : memref<!tpu.dma_semaphore, #tpu.memory_space<semaphore_mem>>) src(%dma_wait3A_35 : memref<128xi32, #tpu.memory_space<hbm>>) dst(%arg7 : memref<128xi32, #tpu.memory_space<vmem>>)
        tpu.yield
      }) : () -> ()
      %dma_start3A = arith.constant 0 : i32
      %dma_start3A_27 = arith.constant 0 : i32
      %dma_start3A_28 = tpu.memref_slice %arg2[%dma_start3A, %dma_start3A_27] : memref<10240x16xf32, #tpu.memory_space<hbm>> -> memref<10240x16xf32, #tpu.memory_space<hbm>>
      tpu.enqueue_indirect_dma source(%dma_start3A_28 : memref<10240x16xf32, #tpu.memory_space<hbm>>) target(%arg8 : memref<128x16xf32, #tpu.memory_space<vmem>>) offsets(%arg6 : memref<128xi32, #tpu.memory_space<vmem>>) semaphore(%arg11 : memref<!tpu.dma_semaphore, #tpu.memory_space<semaphore_mem>>)
      %dma_wait3A = arith.constant 0 : i32
      %dma_wait3A_29 = arith.constant 0 : i32
      %dma_wait3A_30 = tpu.memref_slice %arg2[%dma_wait3A, %dma_wait3A_29] : memref<10240x16xf32, #tpu.memory_space<hbm>> -> memref<10240x16xf32, #tpu.memory_space<hbm>>
      tpu.wait_indirect_dma semaphore(%arg11 : memref<!tpu.dma_semaphore, #tpu.memory_space<semaphore_mem>>) src(%dma_wait3A_30 : memref<10240x16xf32, #tpu.memory_space<hbm>>) dst(%arg8 : memref<128x16xf32, #tpu.memory_space<vmem>>)
      "tpu.region"() ({
        %run_scoped3A = tpu.sem_alloc : memref<!tpu.dma_semaphore, #tpu.memory_space<semaphore_mem>>
        %dma_start3A_32 = arith.constant 0 : i32
        %dma_start3A_33 = arith.constant 0 : i32
        %dma_start3A_34 = tpu.memref_slice %arg10[%dma_start3A_32, %dma_start3A_33] : memref<10240x16xf32, #tpu.memory_space<vmem_shared>> -> memref<10240x16xf32, #tpu.memory_space<vmem_shared>>
        tpu.enqueue_indirect_dma source(%arg8 : memref<128x16xf32, #tpu.memory_space<vmem>>) target(%dma_start3A_34 : memref<10240x16xf32, #tpu.memory_space<vmem_shared>>) offsets(%arg7 : memref<128xi32, #tpu.memory_space<vmem>>) semaphore(%run_scoped3A : memref<!tpu.dma_semaphore, #tpu.memory_space<semaphore_mem>>) {add = true}
        %dma_wait3A_35 = arith.constant 0 : i32
        %dma_wait3A_36 = arith.constant 0 : i32
        %dma_wait3A_37 = tpu.memref_slice %arg10[%dma_wait3A_35, %dma_wait3A_36] : memref<10240x16xf32, #tpu.memory_space<vmem_shared>> -> memref<10240x16xf32, #tpu.memory_space<vmem_shared>>
        tpu.wait_indirect_dma semaphore(%run_scoped3A : memref<!tpu.dma_semaphore, #tpu.memory_space<semaphore_mem>>) src(%arg8 : memref<128x16xf32, #tpu.memory_space<vmem>>) dst(%dma_wait3A_37 : memref<10240x16xf32, #tpu.memory_space<vmem_shared>>)
        tpu.yield
      }) : () -> ()
      %scan3A_31 = arith.constant 0 : i32
      scf.yield %scan3A_31 : i32
    }
    %scan3A_15 = arith.constant 40 : i32
    %barrier3A_16 = arith.constant 0 : index
    tpu.barrier barrier_id(%barrier3A_16)
    %mul3A_17 = arith.constant 10240 : i32
    %mul3A_18 = arith.muli %arg0, %mul3A_17 : i32
    %add3A_19 = arith.addi %mul3A_18, %mul3A_2 : i32
    "tpu.region"() ({
      %run_scoped3A = tpu.sem_alloc : memref<!tpu.dma_semaphore, #tpu.memory_space<semaphore_mem>>
      %dma_start3A = arith.constant 0 : i32
      %dma_start3A_20 = tpu.memref_slice %arg5[%add3A_19, %dma_start3A] : memref<20480x16xf32, #tpu.memory_space<hbm>> -> memref<640x16xf32, #tpu.memory_space<hbm>>
      %dma_start3A_21 = arith.constant 0 : i32
      %dma_start3A_22 = tpu.memref_slice %arg10[%mul3A_2, %dma_start3A_21] : memref<10240x16xf32, #tpu.memory_space<vmem_shared>> -> memref<640x16xf32, #tpu.memory_space<vmem_shared>>
      tpu.enqueue_dma source(%dma_start3A_22 : memref<640x16xf32, #tpu.memory_space<vmem_shared>>) target(%dma_start3A_20 : memref<640x16xf32, #tpu.memory_space<hbm>>) target_semaphore(%run_scoped3A : memref<!tpu.dma_semaphore, #tpu.memory_space<semaphore_mem>>)
      %dma_wait3A = arith.constant 0 : i32
      %dma_wait3A_23 = tpu.memref_slice %arg5[%add3A_19, %dma_wait3A] : memref<20480x16xf32, #tpu.memory_space<hbm>> -> memref<640x16xf32, #tpu.memory_space<hbm>>
      %dma_wait3A_24 = arith.constant 0 : i32
      %dma_wait3A_25 = tpu.memref_slice %arg10[%mul3A_2, %dma_wait3A_24] : memref<10240x16xf32, #tpu.memory_space<vmem_shared>> -> memref<640x16xf32, #tpu.memory_space<vmem_shared>>
      tpu.wait_dma2 semaphore(%run_scoped3A : memref<!tpu.dma_semaphore, #tpu.memory_space<semaphore_mem>>) src(%dma_wait3A_25 : memref<640x16xf32, #tpu.memory_space<vmem_shared>>) dst(%dma_wait3A_23 : memref<640x16xf32, #tpu.memory_space<hbm>>)
      tpu.yield
    }) : () -> ()
    return
  }
}

#map = affine_map<(d0, d1) -> (0, 0)>
#map1 = affine_map<(d0, d1) -> (0)>
module attributes {stable_mosaic.version = 14 : i64} {
  func.func @run(%arg0: i32, %arg1: i32, %arg2: memref<10240x16xf32, #tpu.memory_space<hbm>>, %arg3: memref<163840xi32, #tpu.memory_space<hbm>>, %arg4: memref<163840xi32, #tpu.memory_space<hbm>>, %arg5: memref<20480x16xf32, #tpu.memory_space<hbm>>, %arg6: memref<128xi32, #tpu.memory_space<vmem>>, %arg7: memref<128xi32, #tpu.memory_space<vmem>>, %arg8: memref<128x16xf32, #tpu.memory_space<vmem>>, %arg9: memref<640x16xf32, #tpu.memory_space<vmem>>, %arg10: memref<10240x16xf32, #tpu.memory_space<vmem_shared>>, %arg11: memref<!tpu.dma_semaphore, #tpu.memory_space<semaphore_mem>>) attributes {dimension_semantics = [#tpu.dimension_semantics<core_parallel>, #tpu.dimension_semantics<subcore_parallel>], iteration_bounds = array<i64: 2, 16>, scalar_prefetch = 0 : i64, scratch_operands = 6 : i64, tpu.core_type = #tpu.core_type<sc_vector_subcore>, window_params = [{transform_indices = #map}, {transform_indices = #map1}, {transform_indices = #map1}, {transform_indices = #map}]} {
    %mul3A = arith.constant 2 : i32
    %mul3A_0 = arith.muli %arg1, %mul3A : i32
    %add3A = arith.addi %mul3A_0, %arg0 : i32
    %mul3A_1 = arith.constant 640 : i32
    %mul3A_2 = arith.muli %arg1, %mul3A_1 : i32
    %scan3A = arith.constant 0 : i32
    %scan3A_3 = arith.constant 0 : i32
    %scan3A_4 = arith.constant 640 : i32
    %scan3A_5 = arith.addi %scan3A_3, %scan3A_4 : i32
    %scan3A_6 = arith.constant 1 : i32
    %scan3A_7 = scf.for %scan3A_20 = %scan3A_3 to %scan3A_5 step %scan3A_6 iter_args(%scan3A_21 = %scan3A) -> (i32)  : i32 {
      %broadcast_in_dim3A = arith.constant 0.000000e+00 : f32
      %broadcast_in_dim3A_22 = vector.broadcast %broadcast_in_dim3A : f32 to vector<16xf32>
      %swap3A = arith.index_cast %scan3A_20 : i32 to index
      %swap3A_23 = arith.constant 0 : index
      %swap3A_24 = tpu.vector_load %arg9[%swap3A, %swap3A_23] {strides = array<i32>} : memref<640x16xf32, #tpu.memory_space<vmem>>, vector<1x16xf32>,
      %swap3A_25 = vector.shape_cast %swap3A_24 : vector<1x16xf32> to vector<16xf32>
      %swap3A_26 = vector.shape_cast %broadcast_in_dim3A_22 : vector<16xf32> to vector<1x16xf32>
      tpu.vector_store %arg9[%swap3A, %swap3A_23], %swap3A_26 {strides = array<i32>} : memref<640x16xf32, #tpu.memory_space<vmem>>, vector<1x16xf32>,
      %scan3A_27 = arith.constant 0 : i32
      scf.yield %scan3A_27 : i32
    }
    %scan3A_8 = arith.constant 640 : i32
    "tpu.region"() ({
      %run_scoped3A = tpu.sem_alloc : memref<!tpu.dma_semaphore, #tpu.memory_space<semaphore_mem>>
      %dma_start3A = arith.constant 0 : i32
      %dma_start3A_20 = tpu.memref_slice %arg10[%mul3A_2, %dma_start3A] : memref<10240x16xf32, #tpu.memory_space<vmem_shared>> -> memref<640x16xf32, #tpu.memory_space<vmem_shared>>
      %dma_start3A_21 = arith.constant 0 : i32
      %dma_start3A_22 = tpu.memref_slice %arg10[%mul3A_2, %dma_start3A_21] : memref<10240x16xf32, #tpu.memory_space<vmem_shared>> -> memref<640x16xf32, #tpu.memory_space<vmem_shared>>
      tpu.enqueue_dma source(%arg9 : memref<640x16xf32, #tpu.memory_space<vmem>>) target(%dma_start3A_22 : memref<640x16xf32, #tpu.memory_space<vmem_shared>>) target_semaphore(%run_scoped3A : memref<!tpu.dma_semaphore, #tpu.memory_space<semaphore_mem>>)
      %dma_wait3A = arith.constant 0 : i32
      %dma_wait3A_23 = tpu.memref_slice %arg10[%mul3A_2, %dma_wait3A] : memref<10240x16xf32, #tpu.memory_space<vmem_shared>> -> memref<640x16xf32, #tpu.memory_space<vmem_shared>>
      %dma_wait3A_24 = arith.constant 0 : i32
      %dma_wait3A_25 = tpu.memref_slice %arg10[%mul3A_2, %dma_wait3A_24] : memref<10240x16xf32, #tpu.memory_space<vmem_shared>> -> memref<640x16xf32, #tpu.memory_space<vmem_shared>>
      tpu.wait_dma2 semaphore(%run_scoped3A : memref<!tpu.dma_semaphore, #tpu.memory_space<semaphore_mem>>) src(%arg9 : memref<640x16xf32, #tpu.memory_space<vmem>>) dst(%dma_wait3A_25 : memref<640x16xf32, #tpu.memory_space<vmem_shared>>)
      tpu.yield
    }) : () -> ()
    %barrier3A = arith.constant 0 : index
    tpu.barrier barrier_id(%barrier3A)
    %scan3A_9 = arith.constant 0 : i32
    %scan3A_10 = arith.constant 0 : i32
    %scan3A_11 = arith.constant 40 : i32
    %scan3A_12 = arith.addi %scan3A_10, %scan3A_11 : i32
    %scan3A_13 = arith.constant 1 : i32
    %scan3A_14 = scf.for %scan3A_20 = %scan3A_10 to %scan3A_12 step %scan3A_13 iter_args(%scan3A_21 = %scan3A_9) -> (i32)  : i32 {
      %mul3A_22 = arith.constant 40 : i32
      %mul3A_23 = arith.muli %add3A, %mul3A_22 : i32
      %add3A_24 = arith.addi %mul3A_23, %scan3A_20 : i32
      %mul3A_25 = arith.constant 128 : i32
      %mul3A_26 = arith.muli %add3A_24, %mul3A_25 : i32
      "tpu.region"() ({
        %run_scoped3A = tpu.sem_alloc : memref<!tpu.dma_semaphore, #tpu.memory_space<semaphore_mem>>
        %dma_start3A_32 = tpu.memref_slice %arg3[%mul3A_26] : memref<163840xi32, #tpu.memory_space<hbm>> -> memref<128xi32, #tpu.memory_space<hbm>>
        %dma_start3A_33 = tpu.memref_slice %arg3[%mul3A_26] : memref<163840xi32, #tpu.memory_space<hbm>> -> memref<128xi32, #tpu.memory_space<hbm>>
        tpu.enqueue_dma source(%dma_start3A_33 : memref<128xi32, #tpu.memory_space<hbm>>) target(%arg6 : memref<128xi32, #tpu.memory_space<vmem>>) target_semaphore(%run_scoped3A : memref<!tpu.dma_semaphore, #tpu.memory_space<semaphore_mem>>)
        %dma_wait3A_34 = tpu.memref_slice %arg3[%mul3A_26] : memref<163840xi32, #tpu.memory_space<hbm>> -> memref<128xi32, #tpu.memory_space<hbm>>
        %dma_wait3A_35 = tpu.memref_slice %arg3[%mul3A_26] : memref<163840xi32, #tpu.memory_space<hbm>> -> memref<128xi32, #tpu.memory_space<hbm>>
        tpu.wait_dma2 semaphore(%run_scoped3A : memref<!tpu.dma_semaphore, #tpu.memory_space<semaphore_mem>>) src(%dma_wait3A_35 : memref<128xi32, #tpu.memory_space<hbm>>) dst(%arg6 : memref<128xi32, #tpu.memory_space<vmem>>)
        tpu.yield
      }) : () -> ()
      "tpu.region"() ({
        %run_scoped3A = tpu.sem_alloc : memref<!tpu.dma_semaphore, #tpu.memory_space<semaphore_mem>>
        %dma_start3A_32 = tpu.memref_slice %arg4[%mul3A_26] : memref<163840xi32, #tpu.memory_space<hbm>> -> memref<128xi32, #tpu.memory_space<hbm>>
        %dma_start3A_33 = tpu.memref_slice %arg4[%mul3A_26] : memref<163840xi32, #tpu.memory_space<hbm>> -> memref<128xi32, #tpu.memory_space<hbm>>
        tpu.enqueue_dma source(%dma_start3A_33 : memref<128xi32, #tpu.memory_space<hbm>>) target(%arg7 : memref<128xi32, #tpu.memory_space<vmem>>) target_semaphore(%run_scoped3A : memref<!tpu.dma_semaphore, #tpu.memory_space<semaphore_mem>>)
        %dma_wait3A_34 = tpu.memref_slice %arg4[%mul3A_26] : memref<163840xi32, #tpu.memory_space<hbm>> -> memref<128xi32, #tpu.memory_space<hbm>>
        %dma_wait3A_35 = tpu.memref_slice %arg4[%mul3A_26] : memref<163840xi32, #tpu.memory_space<hbm>> -> memref<128xi32, #tpu.memory_space<hbm>>
        tpu.wait_dma2 semaphore(%run_scoped3A : memref<!tpu.dma_semaphore, #tpu.memory_space<semaphore_mem>>) src(%dma_wait3A_35 : memref<128xi32, #tpu.memory_space<hbm>>) dst(%arg7 : memref<128xi32, #tpu.memory_space<vmem>>)
        tpu.yield
      }) : () -> ()
      %dma_start3A = arith.constant 0 : i32
      %dma_start3A_27 = arith.constant 0 : i32
      %dma_start3A_28 = tpu.memref_slice %arg2[%dma_start3A, %dma_start3A_27] : memref<10240x16xf32, #tpu.memory_space<hbm>> -> memref<10240x16xf32, #tpu.memory_space<hbm>>
      tpu.enqueue_indirect_dma source(%dma_start3A_28 : memref<10240x16xf32, #tpu.memory_space<hbm>>) target(%arg8 : memref<128x16xf32, #tpu.memory_space<vmem>>) offsets(%arg6 : memref<128xi32, #tpu.memory_space<vmem>>) semaphore(%arg11 : memref<!tpu.dma_semaphore, #tpu.memory_space<semaphore_mem>>)
      %dma_wait3A = arith.constant 0 : i32
      %dma_wait3A_29 = arith.constant 0 : i32
      %dma_wait3A_30 = tpu.memref_slice %arg2[%dma_wait3A, %dma_wait3A_29] : memref<10240x16xf32, #tpu.memory_space<hbm>> -> memref<10240x16xf32, #tpu.memory_space<hbm>>
      tpu.wait_indirect_dma semaphore(%arg11 : memref<!tpu.dma_semaphore, #tpu.memory_space<semaphore_mem>>) src(%dma_wait3A_30 : memref<10240x16xf32, #tpu.memory_space<hbm>>) dst(%arg8 : memref<128x16xf32, #tpu.memory_space<vmem>>)
      "tpu.region"() ({
        %run_scoped3A = tpu.sem_alloc : memref<!tpu.dma_semaphore, #tpu.memory_space<semaphore_mem>>
        %dma_start3A_32 = arith.constant 0 : i32
        %dma_start3A_33 = arith.constant 0 : i32
        %dma_start3A_34 = tpu.memref_slice %arg10[%dma_start3A_32, %dma_start3A_33] : memref<10240x16xf32, #tpu.memory_space<vmem_shared>> -> memref<10240x16xf32, #tpu.memory_space<vmem_shared>>
        tpu.enqueue_indirect_dma source(%arg8 : memref<128x16xf32, #tpu.memory_space<vmem>>) target(%dma_start3A_34 : memref<10240x16xf32, #tpu.memory_space<vmem_shared>>) offsets(%arg7 : memref<128xi32, #tpu.memory_space<vmem>>) semaphore(%run_scoped3A : memref<!tpu.dma_semaphore, #tpu.memory_space<semaphore_mem>>) {add = true}
        %dma_wait3A_35 = arith.constant 0 : i32
        %dma_wait3A_36 = arith.constant 0 : i32
        %dma_wait3A_37 = tpu.memref_slice %arg10[%dma_wait3A_35, %dma_wait3A_36] : memref<10240x16xf32, #tpu.memory_space<vmem_shared>> -> memref<10240x16xf32, #tpu.memory_space<vmem_shared>>
        tpu.wait_indirect_dma semaphore(%run_scoped3A : memref<!tpu.dma_semaphore, #tpu.memory_space<semaphore_mem>>) src(%arg8 : memref<128x16xf32, #tpu.memory_space<vmem>>) dst(%dma_wait3A_37 : memref<10240x16xf32, #tpu.memory_space<vmem_shared>>)
        tpu.yield
      }) : () -> ()
      %scan3A_31 = arith.constant 0 : i32
      scf.yield %scan3A_31 : i32
    }
    %scan3A_15 = arith.constant 40 : i32
    %barrier3A_16 = arith.constant 0 : index
    tpu.barrier barrier_id(%barrier3A_16)
    %mul3A_17 = arith.constant 10240 : i32
    %mul3A_18 = arith.muli %arg0, %mul3A_17 : i32
    %add3A_19 = arith.addi %mul3A_18, %mul3A_2 : i32
    "tpu.region"() ({
      %run_scoped3A = tpu.sem_alloc : memref<!tpu.dma_semaphore, #tpu.memory_space<semaphore_mem>>
      %dma_start3A = arith.constant 0 : i32
      %dma_start3A_20 = tpu.memref_slice %arg5[%add3A_19, %dma_start3A] : memref<20480x16xf32, #tpu.memory_space<hbm>> -> memref<640x16xf32, #tpu.memory_space<hbm>>
      %dma_start3A_21 = arith.constant 0 : i32
      %dma_start3A_22 = tpu.memref_slice %arg10[%mul3A_2, %dma_start3A_21] : memref<10240x16xf32, #tpu.memory_space<vmem_shared>> -> memref<640x16xf32, #tpu.memory_space<vmem_shared>>
      tpu.enqueue_dma source(%dma_start3A_22 : memref<640x16xf32, #tpu.memory_space<vmem_shared>>) target(%dma_start3A_20 : memref<640x16xf32, #tpu.memory_space<hbm>>) target_semaphore(%run_scoped3A : memref<!tpu.dma_semaphore, #tpu.memory_space<semaphore_mem>>)
      %dma_wait3A = arith.constant 0 : i32
      %dma_wait3A_23 = tpu.memref_slice %arg5[%add3A_19, %dma_wait3A] : memref<20480x16xf32, #tpu.memory_space<hbm>> -> memref<640x16xf32, #tpu.memory_space<hbm>>
      %dma_wait3A_24 = arith.constant 0 : i32
      %dma_wait3A_25 = tpu.memref_slice %arg10[%mul3A_2, %dma_wait3A_24] : memref<10240x16xf32, #tpu.memory_space<vmem_shared>> -> memref<640x16xf32, #tpu.memory_space<vmem_shared>>
      tpu.wait_dma2 semaphore(%run_scoped3A : memref<!tpu.dma_semaphore, #tpu.memory_space<semaphore_mem>>) src(%dma_wait3A_25 : memref<640x16xf32, #tpu.memory_space<vmem_shared>>) dst(%dma_wait3A_23 : memref<640x16xf32, #tpu.memory_space<hbm>>)
      tpu.yield
    }) : () -> ()
    return
  }
}

module attributes {stable_mosaic.version = 14 : i64} {
  func.func @_matmul_kernel(%arg0: memref<10240x256xf32, #tpu.memory_space<vmem>>, %arg1: memref<256x32xf32, #tpu.memory_space<vmem>>, %arg2: memref<10240x32xf32, #tpu.memory_space<vmem>>) attributes {dimension_semantics = [], scalar_prefetch = 0 : i64, scratch_operands = 0 : i64, tpu.core_type = #tpu.core_type<tc>} {
    %get3A = arith.constant 0 : index
    %get3A_0 = arith.constant 0 : index
    %get3A_1 = vector.load %arg0[%get3A, %get3A_0] : memref<10240x256xf32, #tpu.memory_space<vmem>>, vector<10240x256xf32>
    %get3A_2 = arith.constant 0 : index
    %get3A_3 = arith.constant 0 : index
    %get3A_4 = vector.load %arg1[%get3A_2, %get3A_3] : memref<256x32xf32, #tpu.memory_space<vmem>>, vector<256x32xf32>
    %dot_general3A = arith.constant dense<0.000000e+00> : vector<10240x32xf32>
    %dot_general3A_5 = tpu.matmul %get3A_1, %get3A_4, %dot_general3A {dimension_numbers = #tpu.dot_dimension_numbers<[1], [0], [0], [1], [0, 0, 1, 1], [], []>, transpose_lhs_hint = false} : vector<10240x256xf32>, vector<256x32xf32>, vector<10240x32xf32> -> vector<10240x32xf32>
    %swap3A = arith.constant 0 : index
    %swap3A_6 = arith.constant 0 : index
    %swap3A_7 = vector.load %arg2[%swap3A, %swap3A_6] : memref<10240x32xf32, #tpu.memory_space<vmem>>, vector<10240x32xf32>
    tpu.vector_store %arg2[%swap3A, %swap3A_6], %dot_general3A_5 {strides = array<i32>} : memref<10240x32xf32, #tpu.memory_space<vmem>>, vector<10240x32xf32>,
    return
  }
}

module attributes {stable_mosaic.version = 14 : i64} {
  func.func @_scale_kernel(%arg0: memref<2x10240x32xf32, #tpu.memory_space<vmem>>, %arg1: memref<2x10240xf32, #tpu.memory_space<vmem>>, %arg2: memref<10240x32xf32, #tpu.memory_space<vmem>>) attributes {dimension_semantics = [], scalar_prefetch = 0 : i64, scratch_operands = 0 : i64, tpu.core_type = #tpu.core_type<tc>} {
    %get3A = arith.constant 0 : index
    %get3A_0 = arith.constant 0 : index
    %get3A_1 = vector.load %arg1[%get3A, %get3A_0] : memref<2x10240xf32, #tpu.memory_space<vmem>>, vector<1x10240xf32>
    %get3A_2 = vector.shape_cast %get3A_1 : vector<1x10240xf32> to vector<10240xf32>
    %get3A_3 = arith.constant 1 : index
    %get3A_4 = arith.constant 0 : index
    %get3A_5 = vector.load %arg1[%get3A_3, %get3A_4] : memref<2x10240xf32, #tpu.memory_space<vmem>>, vector<1x10240xf32>
    %get3A_6 = vector.shape_cast %get3A_5 : vector<1x10240xf32> to vector<10240xf32>
    %add3A = arith.addf %get3A_2, %get3A_6 : vector<10240xf32>
    %gt3A = arith.constant 0.000000e+00 : f32
    %gt3A_7 = vector.broadcast %gt3A : f32 to vector<10240xf32>
    %gt3A_8 = arith.cmpf ogt, %add3A, %gt3A_7 : vector<10240xf32>
    %div3A = arith.constant 1.000000e+00 : f32
    %div3A_9 = vector.broadcast %div3A : f32 to vector<10240xf32>
    %div3A_10 = arith.divf %div3A_9, %add3A : vector<10240xf32>
    %jit3A = arith.constant 0.000000e+00 : f32
    %broadcast_in_dim3A = vector.broadcast %jit3A : f32 to vector<10240xf32>
    %select_n3A = arith.select %gt3A_8, %div3A_10, %broadcast_in_dim3A : vector<10240xi1>, vector<10240xf32>
    %get3A_11 = arith.constant 0 : index
    %get3A_12 = arith.constant 0 : index
    %get3A_13 = arith.constant 0 : index
    %get3A_14 = vector.load %arg0[%get3A_11, %get3A_12, %get3A_13] : memref<2x10240x32xf32, #tpu.memory_space<vmem>>, vector<1x10240x32xf32>
    %get3A_15 = vector.shape_cast %get3A_14 : vector<1x10240x32xf32> to vector<10240x32xf32>
    %get3A_16 = arith.constant 1 : index
    %get3A_17 = arith.constant 0 : index
    %get3A_18 = arith.constant 0 : index
    %get3A_19 = vector.load %arg0[%get3A_16, %get3A_17, %get3A_18] : memref<2x10240x32xf32, #tpu.memory_space<vmem>>, vector<1x10240x32xf32>
    %get3A_20 = vector.shape_cast %get3A_19 : vector<1x10240x32xf32> to vector<10240x32xf32>
    %add3A_21 = arith.addf %get3A_15, %get3A_20 : vector<10240x32xf32>
    %broadcast_in_dim3A_22 = vector.shape_cast %select_n3A : vector<10240xf32> to vector<10240x1xf32>
    %mul3A = vector.broadcast %broadcast_in_dim3A_22 : vector<10240x1xf32> to vector<10240x32xf32>
    %mul3A_23 = arith.mulf %add3A_21, %mul3A : vector<10240x32xf32>
    %swap3A = arith.constant 0 : index
    %swap3A_24 = arith.constant 0 : index
    %swap3A_25 = vector.load %arg2[%swap3A, %swap3A_24] : memref<10240x32xf32, #tpu.memory_space<vmem>>, vector<10240x32xf32>
    tpu.vector_store %arg2[%swap3A, %swap3A_24], %mul3A_23 {strides = array<i32>} : memref<10240x32xf32, #tpu.memory_space<vmem>>, vector<10240x32xf32>,
    return
  }
}

module attributes {stable_mosaic.version = 14 : i64} {
  func.func @_finish1_kernel(%arg0: memref<2x10240x32xf32, #tpu.memory_space<vmem>>, %arg1: memref<2x10240xf32, #tpu.memory_space<vmem>>, %arg2: memref<1x32xf32, #tpu.memory_space<vmem>>, %arg3: memref<32x16xf32, #tpu.memory_space<vmem>>, %arg4: memref<10240x16xf32, #tpu.memory_space<vmem>>) attributes {dimension_semantics = [], scalar_prefetch = 0 : i64, scratch_operands = 0 : i64, tpu.core_type = #tpu.core_type<tc>} {
    %get3A = arith.constant 0 : index
    %get3A_0 = arith.constant 0 : index
    %get3A_1 = vector.load %arg1[%get3A, %get3A_0] : memref<2x10240xf32, #tpu.memory_space<vmem>>, vector<1x10240xf32>
    %get3A_2 = vector.shape_cast %get3A_1 : vector<1x10240xf32> to vector<10240xf32>
    %get3A_3 = arith.constant 1 : index
    %get3A_4 = arith.constant 0 : index
    %get3A_5 = vector.load %arg1[%get3A_3, %get3A_4] : memref<2x10240xf32, #tpu.memory_space<vmem>>, vector<1x10240xf32>
    %get3A_6 = vector.shape_cast %get3A_5 : vector<1x10240xf32> to vector<10240xf32>
    %add3A = arith.addf %get3A_2, %get3A_6 : vector<10240xf32>
    %gt3A = arith.constant 0.000000e+00 : f32
    %gt3A_7 = vector.broadcast %gt3A : f32 to vector<10240xf32>
    %gt3A_8 = arith.cmpf ogt, %add3A, %gt3A_7 : vector<10240xf32>
    %div3A = arith.constant 1.000000e+00 : f32
    %div3A_9 = vector.broadcast %div3A : f32 to vector<10240xf32>
    %div3A_10 = arith.divf %div3A_9, %add3A : vector<10240xf32>
    %jit3A = arith.constant 0.000000e+00 : f32
    %broadcast_in_dim3A = vector.broadcast %jit3A : f32 to vector<10240xf32>
    %select_n3A = arith.select %gt3A_8, %div3A_10, %broadcast_in_dim3A : vector<10240xi1>, vector<10240xf32>
    %get3A_11 = arith.constant 0 : index
    %get3A_12 = arith.constant 0 : index
    %get3A_13 = arith.constant 0 : index
    %get3A_14 = vector.load %arg0[%get3A_11, %get3A_12, %get3A_13] : memref<2x10240x32xf32, #tpu.memory_space<vmem>>, vector<1x10240x32xf32>
    %get3A_15 = vector.shape_cast %get3A_14 : vector<1x10240x32xf32> to vector<10240x32xf32>
    %get3A_16 = arith.constant 1 : index
    %get3A_17 = arith.constant 0 : index
    %get3A_18 = arith.constant 0 : index
    %get3A_19 = vector.load %arg0[%get3A_16, %get3A_17, %get3A_18] : memref<2x10240x32xf32, #tpu.memory_space<vmem>>, vector<1x10240x32xf32>
    %get3A_20 = vector.shape_cast %get3A_19 : vector<1x10240x32xf32> to vector<10240x32xf32>
    %add3A_21 = arith.addf %get3A_15, %get3A_20 : vector<10240x32xf32>
    %broadcast_in_dim3A_22 = vector.shape_cast %select_n3A : vector<10240xf32> to vector<10240x1xf32>
    %mul3A = vector.broadcast %broadcast_in_dim3A_22 : vector<10240x1xf32> to vector<10240x32xf32>
    %mul3A_23 = arith.mulf %add3A_21, %mul3A : vector<10240x32xf32>
    %get3A_24 = arith.constant 0 : index
    %get3A_25 = arith.constant 0 : index
    %get3A_26 = vector.load %arg2[%get3A_24, %get3A_25] : memref<1x32xf32, #tpu.memory_space<vmem>>, vector<1x32xf32>
    %add3A_27 = vector.broadcast %get3A_26 : vector<1x32xf32> to vector<10240x32xf32>
    %add3A_28 = arith.addf %mul3A_23, %add3A_27 : vector<10240x32xf32>
    %max3A = arith.constant 0.000000e+00 : f32
    %max3A_29 = vector.broadcast %max3A : f32 to vector<10240x32xf32>
    %max3A_30 = arith.maximumf %add3A_28, %max3A_29 : vector<10240x32xf32>
    %get3A_31 = arith.constant 0 : index
    %get3A_32 = arith.constant 0 : index
    %get3A_33 = vector.load %arg3[%get3A_31, %get3A_32] : memref<32x16xf32, #tpu.memory_space<vmem>>, vector<32x16xf32>
    %dot_general3A = arith.constant dense<0.000000e+00> : vector<10240x16xf32>
    %dot_general3A_34 = tpu.matmul %max3A_30, %get3A_33, %dot_general3A {dimension_numbers = #tpu.dot_dimension_numbers<[1], [0], [0], [1], [0, 0, 1, 1], [], []>, transpose_lhs_hint = false} : vector<10240x32xf32>, vector<32x16xf32>, vector<10240x16xf32> -> vector<10240x16xf32>
    %swap3A = arith.constant 0 : index
    %swap3A_35 = arith.constant 0 : index
    %swap3A_36 = vector.load %arg4[%swap3A, %swap3A_35] : memref<10240x16xf32, #tpu.memory_space<vmem>>, vector<10240x16xf32>
    tpu.vector_store %arg4[%swap3A, %swap3A_35], %dot_general3A_34 {strides = array<i32>} : memref<10240x16xf32, #tpu.memory_space<vmem>>, vector<10240x16xf32>,
    return
  }
}

module attributes {stable_mosaic.version = 14 : i64} {
  func.func @_scale_kernel(%arg0: memref<2x10240x16xf32, #tpu.memory_space<vmem>>, %arg1: memref<2x10240xf32, #tpu.memory_space<vmem>>, %arg2: memref<10240x16xf32, #tpu.memory_space<vmem>>) attributes {dimension_semantics = [], scalar_prefetch = 0 : i64, scratch_operands = 0 : i64, tpu.core_type = #tpu.core_type<tc>} {
    %get3A = arith.constant 0 : index
    %get3A_0 = arith.constant 0 : index
    %get3A_1 = vector.load %arg1[%get3A, %get3A_0] : memref<2x10240xf32, #tpu.memory_space<vmem>>, vector<1x10240xf32>
    %get3A_2 = vector.shape_cast %get3A_1 : vector<1x10240xf32> to vector<10240xf32>
    %get3A_3 = arith.constant 1 : index
    %get3A_4 = arith.constant 0 : index
    %get3A_5 = vector.load %arg1[%get3A_3, %get3A_4] : memref<2x10240xf32, #tpu.memory_space<vmem>>, vector<1x10240xf32>
    %get3A_6 = vector.shape_cast %get3A_5 : vector<1x10240xf32> to vector<10240xf32>
    %add3A = arith.addf %get3A_2, %get3A_6 : vector<10240xf32>
    %gt3A = arith.constant 0.000000e+00 : f32
    %gt3A_7 = vector.broadcast %gt3A : f32 to vector<10240xf32>
    %gt3A_8 = arith.cmpf ogt, %add3A, %gt3A_7 : vector<10240xf32>
    %div3A = arith.constant 1.000000e+00 : f32
    %div3A_9 = vector.broadcast %div3A : f32 to vector<10240xf32>
    %div3A_10 = arith.divf %div3A_9, %add3A : vector<10240xf32>
    %jit3A = arith.constant 0.000000e+00 : f32
    %broadcast_in_dim3A = vector.broadcast %jit3A : f32 to vector<10240xf32>
    %select_n3A = arith.select %gt3A_8, %div3A_10, %broadcast_in_dim3A : vector<10240xi1>, vector<10240xf32>
    %get3A_11 = arith.constant 0 : index
    %get3A_12 = arith.constant 0 : index
    %get3A_13 = arith.constant 0 : index
    %get3A_14 = vector.load %arg0[%get3A_11, %get3A_12, %get3A_13] : memref<2x10240x16xf32, #tpu.memory_space<vmem>>, vector<1x10240x16xf32>
    %get3A_15 = vector.shape_cast %get3A_14 : vector<1x10240x16xf32> to vector<10240x16xf32>
    %get3A_16 = arith.constant 1 : index
    %get3A_17 = arith.constant 0 : index
    %get3A_18 = arith.constant 0 : index
    %get3A_19 = vector.load %arg0[%get3A_16, %get3A_17, %get3A_18] : memref<2x10240x16xf32, #tpu.memory_space<vmem>>, vector<1x10240x16xf32>
    %get3A_20 = vector.shape_cast %get3A_19 : vector<1x10240x16xf32> to vector<10240x16xf32>
    %add3A_21 = arith.addf %get3A_15, %get3A_20 : vector<10240x16xf32>
    %broadcast_in_dim3A_22 = vector.shape_cast %select_n3A : vector<10240xf32> to vector<10240x1xf32>
    %mul3A = vector.broadcast %broadcast_in_dim3A_22 : vector<10240x1xf32> to vector<10240x16xf32>
    %mul3A_23 = arith.mulf %add3A_21, %mul3A : vector<10240x16xf32>
    %swap3A = arith.constant 0 : index
    %swap3A_24 = arith.constant 0 : index
    %swap3A_25 = vector.load %arg2[%swap3A, %swap3A_24] : memref<10240x16xf32, #tpu.memory_space<vmem>>, vector<10240x16xf32>
    tpu.vector_store %arg2[%swap3A, %swap3A_24], %mul3A_23 {strides = array<i32>} : memref<10240x16xf32, #tpu.memory_space<vmem>>, vector<10240x16xf32>,
    return
  }
}

module attributes {stable_mosaic.version = 14 : i64} {
  func.func @_finish2_kernel(%arg0: memref<2x10240x16xf32, #tpu.memory_space<vmem>>, %arg1: memref<2x10240xf32, #tpu.memory_space<vmem>>, %arg2: memref<1x16xf32, #tpu.memory_space<vmem>>, %arg3: memref<10240x16xf32, #tpu.memory_space<vmem>>) attributes {dimension_semantics = [], scalar_prefetch = 0 : i64, scratch_operands = 0 : i64, tpu.core_type = #tpu.core_type<tc>} {
    %get3A = arith.constant 0 : index
    %get3A_0 = arith.constant 0 : index
    %get3A_1 = vector.load %arg1[%get3A, %get3A_0] : memref<2x10240xf32, #tpu.memory_space<vmem>>, vector<1x10240xf32>
    %get3A_2 = vector.shape_cast %get3A_1 : vector<1x10240xf32> to vector<10240xf32>
    %get3A_3 = arith.constant 1 : index
    %get3A_4 = arith.constant 0 : index
    %get3A_5 = vector.load %arg1[%get3A_3, %get3A_4] : memref<2x10240xf32, #tpu.memory_space<vmem>>, vector<1x10240xf32>
    %get3A_6 = vector.shape_cast %get3A_5 : vector<1x10240xf32> to vector<10240xf32>
    %add3A = arith.addf %get3A_2, %get3A_6 : vector<10240xf32>
    %gt3A = arith.constant 0.000000e+00 : f32
    %gt3A_7 = vector.broadcast %gt3A : f32 to vector<10240xf32>
    %gt3A_8 = arith.cmpf ogt, %add3A, %gt3A_7 : vector<10240xf32>
    %div3A = arith.constant 1.000000e+00 : f32
    %div3A_9 = vector.broadcast %div3A : f32 to vector<10240xf32>
    %div3A_10 = arith.divf %div3A_9, %add3A : vector<10240xf32>
    %jit3A = arith.constant 0.000000e+00 : f32
    %broadcast_in_dim3A = vector.broadcast %jit3A : f32 to vector<10240xf32>
    %select_n3A = arith.select %gt3A_8, %div3A_10, %broadcast_in_dim3A : vector<10240xi1>, vector<10240xf32>
    %get3A_11 = arith.constant 0 : index
    %get3A_12 = arith.constant 0 : index
    %get3A_13 = arith.constant 0 : index
    %get3A_14 = vector.load %arg0[%get3A_11, %get3A_12, %get3A_13] : memref<2x10240x16xf32, #tpu.memory_space<vmem>>, vector<1x10240x16xf32>
    %get3A_15 = vector.shape_cast %get3A_14 : vector<1x10240x16xf32> to vector<10240x16xf32>
    %get3A_16 = arith.constant 1 : index
    %get3A_17 = arith.constant 0 : index
    %get3A_18 = arith.constant 0 : index
    %get3A_19 = vector.load %arg0[%get3A_16, %get3A_17, %get3A_18] : memref<2x10240x16xf32, #tpu.memory_space<vmem>>, vector<1x10240x16xf32>
    %get3A_20 = vector.shape_cast %get3A_19 : vector<1x10240x16xf32> to vector<10240x16xf32>
    %add3A_21 = arith.addf %get3A_15, %get3A_20 : vector<10240x16xf32>
    %broadcast_in_dim3A_22 = vector.shape_cast %select_n3A : vector<10240xf32> to vector<10240x1xf32>
    %mul3A = vector.broadcast %broadcast_in_dim3A_22 : vector<10240x1xf32> to vector<10240x16xf32>
    %mul3A_23 = arith.mulf %add3A_21, %mul3A : vector<10240x16xf32>
    %get3A_24 = arith.constant 0 : index
    %get3A_25 = arith.constant 0 : index
    %get3A_26 = vector.load %arg2[%get3A_24, %get3A_25] : memref<1x16xf32, #tpu.memory_space<vmem>>, vector<1x16xf32>
    %add3A_27 = vector.broadcast %get3A_26 : vector<1x16xf32> to vector<10240x16xf32>
    %add3A_28 = arith.addf %mul3A_23, %add3A_27 : vector<10240x16xf32>
    %swap3A = arith.constant 0 : index
    %swap3A_29 = arith.constant 0 : index
    %swap3A_30 = vector.load %arg3[%swap3A, %swap3A_29] : memref<10240x16xf32, #tpu.memory_space<vmem>>, vector<10240x16xf32>
    tpu.vector_store %arg3[%swap3A, %swap3A_29], %add3A_28 {strides = array<i32>} : memref<10240x16xf32, #tpu.memory_space<vmem>>, vector<10240x16xf32>,
    return
  }
}

</mosaic_0001>

<sc_bundles>
// kernel: kernel.11.cloned.1.call-start
scs
__scs_entry_jumppad:
0x0: {  	(pc) =	sbr.rel $0x88, $3  }
0x1: {  	(tag) =	ssettag $0x0;
	lr =	simm.s32 $0x1  }
0x2: {  	[smem:$0x3F9B] =	sst lr;
	_ =	strace $0xD0000000  }
0x3: {  	_ = 	snop  }
0x4: {  	_ = 	snop  }
0x5: {  	_ = 	snop  }
0x6: {  	_ = 	snop  }
0x7: {  	_ = 	snop  }
__scs_overlays_trampoline_lowered:
0x8: {  	[smem:$0x3FAA] =	sst s0  }
0x9: {  	[smem:$0x3FAB] =	sst s1  }
0xa: {  	[smem:$0x3FAC] =	sst s2  }
0xb: {  	[smem:$0x3FAD] =	sst s3  }
0xc: {  	[smem:$0x3FAE] =	sst s4  }
0xd: {  	[smem:$0x3FAF] =	sst s5  }
0xe: {  	[smem:$0x3FB0] =	sst s6  }
0xf: {  	[smem:$0x3FB1] =	sst s7  }
0x10: {  	[smem:$0x3FB2] =	sst s8  }
0x11: {  	[smem:$0x3FB3] =	sst s9;
	s0 =	simm.s32 @!p0 $0x0  }
0x12: {  	s1 =	sld [smem:$0x3F99];
	s0 =	simm.s32 @p0 $0x1  }
0x13: {  	[smem:$0x3FB4] =	sst s0;
	s0 =	simm.s32 @!p1 $0x0  }
0x14: {  	s2 =	sld [smem:$0x3F98];
	s0 =	simm.s32 @p1 $0x1  }
0x15: {  	[smem:$0x3FB5] =	sst s0;
	s0 =	simm.s32 @!p2 $0x0  }
0x16: {  	s3 =	sld [smem:$0x3FDB];
	s0 =	simm.s32 @p2 $0x1  }
0x17: {  	s4 =	simm.s32 $0x1BF5;
	[smem:$0x3FB7] =	sst s0  }
0x18: {  	s0 =	sld [smem:$0x3F9A];
	_ =	swait.ge [sflag:s4], $0x0  }
0x19: {  	s7 =	sld [smem:$0x3F9B]  }
0x1a: {  	s8 =	sadd.s32 $0xFFFFE003, lr  }
0x1b: {  	s9 =	sadd.s32 $0xFFFFFEF7, lr;
	s5 =	simm.s32 $0xFFFFFFFF;
	p2 =	slt.u32 s8, $0xFFFFF086  }
0x1c: {  	p1 =	slt.u32 s9, $0xF7A;
	s5 =	simm.s32 @!p2 $0x0  }
0x1d: {  	s5 =	simm.s32 @p1 $0x1;
	p0 =	seq.s32 s7, s2  }
0x1e: {  	s7 =	smul.u32 @!p0 $0xF7A, s2;
	p2 =	seq.s32 @!p0 s5, $0x0  }
0x1f: {  	s9 =	smul.u32 $0xF7A, s1;
	s8 =	simm.s32 @!p0 $0x1BF5;
	p2 =	por !p2, p0  }
0x20: {  	[sflag:s8] =	ssyncset.s32 @!p0 $0xFFFFF086;
	s6 =	sadd.s32 @!p0 s3, s7;
	s7 =	simm.s32 @!p0 $0x108  }
0x21: {  	s3 =	sadd.s32 s3, s9;
	s6 =	sadd.s32 @!p0 $0x88, s6;
	s7 =	simm.s32 @p2 $0x1082  }
0x22: {  	[simem:s7], [sflag:s8] =	dma.local @!p0 [hbm:s6], $0xF7A  }
0x23: {  	s9 =	sor.u32 $0xD0000000, s2;
	s6 =	simm.s32 $0x108;
	_ =	swait.ge @!p0 [sflag:s8], $0x0  }
0x24: {  	s3 =	sadd.s32 $0x88, s3;
	s6 =	simm.s32 @!p1 $0x1082;
	[sflag:s4] =	ssyncset.s32 $0xFFFFF086  }
0x25: {  	[simem:s6], [sflag:s4] =	dma.local [hbm:s3], $0xF7A  }
0x26: {  	[smem:$0x3F9B] =	sst s1;
	(tag) =	ssettag s2;
	_ =	strace s9  }
0x27: {  	s1 =	sld [smem:$0x3FAB]  }
0x28: {  	s2 =	sld [smem:$0x3FAC]  }
0x29: {  	s4 =	sld [smem:$0x3FAE]  }
0x2a: {  	p0 =	seq.s32 s5, $0x0;
	s5 =	sld [smem:$0x3FAF]  }
0x2b: {  	s6 =	sld [smem:$0x3FB0]  }
0x2c: {  	s7 =	sld [smem:$0x3FB1]  }
0x2d: {  	s3 =	simm.s32 $0x108;
	s8 =	sld [smem:$0x3FB2]  }
0x2e: {  	s3 =	simm.s32 @!p0 $0x1082;
	s9 =	sld [smem:$0x3FB3]  }
0x2f: {  	lr =	sadd.s32 s0, s3;
	s0 =	sld [smem:$0x3FAA]  }
0x30: {  	s3 =	sld [smem:$0x3FAD]  }
0x31: {  	[smem:$0x3FB6] =	sst s10  }
0x32: {  	s10 =	sld [smem:$0x3FB4];
	_ =	sdelay $0x3  }
0x33: {  	p0 =	seq.s32 s10, $0x1;
	s10 =	sld [smem:$0x3FB6];
	_ =	sdelay $0x3  }
0x34: {  	[smem:$0x3FB6] =	sst s10  }
0x35: {  	s10 =	sld [smem:$0x3FB5];
	_ =	sdelay $0x3  }
0x36: {  	p1 =	seq.s32 s10, $0x1;
	s10 =	sld [smem:$0x3FB6];
	_ =	sdelay $0x3  }
0x37: {  	[smem:$0x3FB6] =	sst s10  }
0x38: {  	s10 =	sld [smem:$0x3FB7]  }
0x39: {  	_ = 	snop;
	(pc) =	sbr.ind lr, $3  }
0x3a: {  	_ = 	snop  }
0x3b: {  	_ = 	snop  }
0x3c: {  	p2 =	seq.s32 s10, $0x1;
	s10 =	sld [smem:$0x3FB6]  }
0x3d: {  	_ =	shalt  }
0x3e: {  	_ =	shalt  }
0x3f: {  	_ =	shalt  }
0x40: {  	_ =	shalt  }
0x41: {  	_ =	shalt  }
0x42: {  	_ =	shalt  }
0x43: {  	_ =	shalt  }
0x44: {  	_ =	shalt  }
0x45: {  	_ =	shalt  }
0x46: {  	_ =	shalt  }
0x47: {  	_ =	shalt  }
0x48: {  	_ =	shalt  }
0x49: {  	_ =	shalt  }
0x4a: {  	_ =	shalt  }
0x4b: {  	_ =	shalt  }
0x4c: {  	_ =	shalt  }
0x4d: {  	_ =	shalt  }
0x4e: {  	_ =	shalt  }
0x4f: {  	_ =	shalt  }
0x50: {  	_ =	shalt  }
0x51: {  	_ =	shalt  }
0x52: {  	_ =	shalt  }
0x53: {  	_ =	shalt  }
0x54: {  	_ =	shalt  }
0x55: {  	_ =	shalt  }
0x56: {  	_ =	shalt  }
0x57: {  	_ =	shalt  }
0x58: {  	_ =	shalt  }
0x59: {  	_ =	shalt  }
0x5a: {  	_ =	shalt  }
0x5b: {  	_ =	shalt  }
0x5c: {  	_ =	shalt  }
0x5d: {  	_ =	shalt  }
0x5e: {  	_ =	shalt  }
0x5f: {  	_ =	shalt  }
0x60: {  	_ =	shalt  }
0x61: {  	_ =	shalt  }
0x62: {  	_ =	shalt  }
0x63: {  	_ =	shalt  }
0x64: {  	_ =	shalt  }
0x65: {  	_ =	shalt  }
0x66: {  	_ =	shalt  }
0x67: {  	_ =	shalt  }
0x68: {  	_ =	shalt  }
0x69: {  	_ =	shalt  }
0x6a: {  	_ =	shalt  }
0x6b: {  	_ =	shalt  }
0x6c: {  	_ =	shalt  }
0x6d: {  	_ =	shalt  }
0x6e: {  	_ =	shalt  }
0x6f: {  	_ =	shalt  }
0x70: {  	_ =	shalt  }
0x71: {  	_ =	shalt  }
0x72: {  	_ =	shalt  }
0x73: {  	_ =	shalt  }
0x74: {  	_ =	shalt  }
0x75: {  	_ =	shalt  }
0x76: {  	_ =	shalt  }
0x77: {  	_ =	shalt  }
0x78: {  	_ =	shalt  }
0x79: {  	_ =	shalt  }
0x7a: {  	_ =	shalt  }
0x7b: {  	_ =	shalt  }
0x7c: {  	_ =	shalt  }
0x7d: {  	_ =	shalt  }
0x7e: {  	_ =	shalt  }
0x7f: {  	_ =	shalt  }
0x80: {  	_ =	shalt  }
0x81: {  	_ =	shalt  }
0x82: {  	_ =	shalt  }
0x83: {  	_ =	shalt  }
0x84: {  	_ =	shalt  }
0x85: {  	_ =	shalt  }
0x86: {  	_ =	shalt  }
0x87: {  	_ =	shalt  }
.Lfunc_end0:
.L_simem_size_0:
called_computation_lowered:
.L_overlay_start_0:
0x88: {  	s2 =	sld [smem:$0x3FD9]  }
0x89: {  	s3 =	sld [smem:$0x3FFE];
	_ =	sdelay $0x1  }
0x8a: {  	s1 =	srdreg.scid  }
0x8b: {  	s0 =	sand.u32 $0x1, s1  }
0x8c: {  	s16 =	sshll.u32 s0, $0xA;
	s2 =	sadd.s32 s3, s2  }
0x8d: {  	s2 =	sadd.s32 s2, s16  }
0x8e: {  	[smem:$0x3FC2] =	sst s2  }
0x8f: {  	_ = 	snop  }
0x90: {  	(tm) =	ssettm $0x1  }
0x91: {  	s17 =	sld [smem:$0x3FFB];
	_ =	sdelay $0x3  }
0x92: {  	_ =	strace s17  }
0x93: {  	s2 =	sld [smem:$0x3FFC];
	_ =	sdelay $0x3  }
0x94: {  	_ =	strace s2  }
0x95: {  	s2 =	sld [smem:$0x3FFD];
	_ =	sdelay $0x3  }
0x96: {  	_ =	strace s2  }
0x97: {  	_ =	strace $0x8FFFFFFF  }
0x98: {  	s18 =	sld [smem:$0x3FDB];
	_ =	sdelay $0x1  }
0x99: {  	s19 =	simm.s32 $_scs_section_size  }
0x9a: {  	s4 =	simm.s32 $_size__tile_overlayer_lowered;
	s5 =	simm.s32 $_tile_overlayer_lowered  }
0x9b: {  	s22 =	simm.s32 $0x1BFF;
	s21 =	sshll.u32 s5, $0x1;
	s2 =	sadd.s32 s19, s18  }
0x9c: {  	s6 =	simm.s32 $0x0;
	s20 =	sshll.u32 s4, $0x1;
	s4 =	sadd.s32 s21, s2  }
0x9d: {  	[timem:s6], [sflag:s22] =	dma.local [hbm:s4], s20  }
0x9e: {  	_ =	swait.ge [sflag:s22], s20  }
0x9f: {  	s3 =	ssub.s32 $0x0, s20;
	[sflag:s22] =	ssyncset.done $0x0  }
0xa0: {  	[sflag:s22] =	ssyncadd.s32 s3;
	_ =	sdelay $0x1  }
0xa1: {  	s23 =	simm.s32 $0x1B8B  }
0xa2: {  	_ =	swait.ge [sflag:s23], $0x1  }
0xa3: {  	[sflag:s23] =	ssyncset.done $0x0  }
0xa4: {  	s25 =	simm.s32 $0x1B8E;
	s24 =	sld [smem:$0x3FFE];
	[sflag:s23] =	ssyncadd.s32 $0xFFFFFFFF  }
0xa5: {  	s26 =	simm.s32 $execute0_lowered;
	[smem:$0x3FD2] =	sst s25  }
0xa6: {  	s4 =	sshll.u32 s26, $0x1;
	_ =	strace $0x80000046;
	[dreg:$0x1] =	wrdreg $0xFFFFFFFF  }
0xa7: {  	s28 =	simm.s32 $_size_execute0_lowered;
	s2 =	sadd.s32 s2, s4;
	[dreg:$0x0] =	wrdreg $0x0  }
0xa8: {  	s4 =	sshll.u32 s28, $0x1;
	[dreg:$0x2] =	wrdreg s2  }
0xa9: {  	[dreg:$0x3] =	wrdreg s4  }
0xaa: {  	[dreg:$0x4] =	wrdreg $0xC0  }
0xab: {  	_ =	task [dreg:s6], $0x5FFFF  }
0xac: {  	[dreg:$0x1] =	wrdreg $0xFFFFFFFF  }
0xad: {  	[dreg:$0x0] =	wrdreg $0x60  }
0xae: {  	[dreg:$0x2] =	wrdreg s24  }
0xaf: {  	[dreg:$0x3] =	wrdreg $0x61000  }
0xb0: {  	[dreg:$0x4] =	wrdreg $0xB4000  }
0xb1: {  	[dreg:$0x5] =	wrdreg $0xB6800  }
0xb2: {  	[dreg:$0x6] =	wrdreg $0x9  }
0xb3: {  	_ =	task.clear_ibuf [dreg:s6], $0x7FFFF;
	_ =	strace $0x90000046  }
0xb4: {  	s29 =	simm.s32 $0x9;
	_ =	strace $0x80000048  }
0xb5: {  	_ =	swait.ge [sflag:s29], $0x1  }
0xb6: {  	[sflag:s29] =	ssyncadd.s32 $0xFFFFFFFF  }
0xb7: {  	_ =	strace $0x90000048  }
0xb8: {  	_ =	sfence  }
0xb9: {  	s30 =	sld [smem:$0x0];
	_ =	sdelay $0x2  }
0xba: {  	s31 =	sshll.u32 s1, $0xD;
	s1 =	sshrl.u32 s1, $0x2  }
0xbb: {  	s3 =	sand.u32 $0x4000, s31;
	s1 =	sadd.s32 s1, s30  }
0xbc: {  	s0 =	sor.u32 s3, s0;
	s1 =	sshll.u32 s1, $0x11  }
0xbd: {  	s0 =	sor.u32 s1, s0  }
0xbe: {  	s0 =	sadd.s32 $0x8F2B, s0  }
0xbf: {  	[sflag:s0] =	ssyncadd.remote.s32 $0x1  }
0xc0: {  	_ =	sfence.sel $0xFFFF  }
0xc1: {  	[dreg:$0x0] =	wrdreg $0xFFFFFFFF;
	(pc) =	sbr.abs _section_cstart, $3  }
0xc2: {  	[dreg:$0x1] =	wrdreg $0xFFFFFFFF  }
0xc3: {  	_ =	task.clear_ibuf [dreg:s6], $0x2FFFF;
	_ =	strace $0x9FFFFFFF  }
0xc4: {  	(tm) =	ssettm $0x7FFFFFFF  }
0xc5: {  	_ =	shalt  }
tec
execute0_lowered:
.L_overlay_start_1:
0x0: {  	(tag) =	ssettag $0x1  }
0x1: {  	s7 =	rddreg [dreg:$0x0]  }
0x2: {  	s1 =	rddreg [dreg:$0x1]  }
0x3: {  	s3 =	rddreg [dreg:$0x2];
	s0 =	stileid.u32  }
0x4: {  	s2 =	srdreg.scid;
	s4 =	rddreg [dreg:$0x3]  }
0x5: {  	s5 =	simm.s32 $0x0;
	s17 =	simm.s32 $0x2;
	s18 =	simm.s32 $0xB180  }
0x6: {  	s19 =	simm.s32 $0x80;
	s20 =	simm.s32 $0x100;
	s9 =	smul.u32 $0x280, s0  }
0x7: {  	s21 =	simm.s32 $0x1;
	s22 =	simm.s32 $0xB100;
	s10 =	smul.u32 $0x500, s0  }
0x8: {  	s8 =	sand.u32 $0x1, s2;
	s2 =	rddreg [dreg:$0x4];
	s14 =	smul.u32 $0x14000, s0  }
0x9: {  	s23 =	simm.s32 $0x0;
	[smem:$0x7FF] =	sst s5;
	s6 =	smul.u32 $0x2800, s8  }
0xa: {  	_ =	strace $0x80000047;
	s13 =	ssub.s32 $0x2, s8;
	s31 =	smul.u32 $0x280, s8  }
0xb: {  	s12 =	sadd.s32 s10, s7;
	s29 =	sshrl.u32 s13, $0x1;
	s30 =	sshrl.u32 s14, $0x2  }
0xc: {  	s8 =	sadd.s32 s9, s3;
	s11 =	sadd.s32 s9, s6;
	s6 =	sadd.s32 $0x1600, s7  }
0xd: {  	s13 =	ssub.s32 s13, s29;
	s9 =	sadd.s32 s9, s4;
	s16 =	sadd.s32 s31, s12  }
0xe: {  	s28 =	sshll.u32 s11, $0x2;
	s11 =	sshrl.u32 s11, $0x3;
	s13 =	smax.u32 s13, $0x1  }
0xf: {  	s14 =	sadd.s32 $0xB600, s16;
	s10 =	sadd.s32 s28, s7;
	s15 =	sadd.s32 s11, s7  }
0x10: {  	s7 =	sadd.s32 s30, s1;
	s10 =	sadd.s32 $0x16000, s10;
	s11 =	sadd.s32 $0x2A000, s15  }
0x11: {  	v0 =	vimm.f32 $0.0e+00;
	v1 =	vimm.f32 $1.000000000e+00;
	s12 =	sadd.s32 $0x15600, s15;
	s15 =	sadd.s32 $0x10600, s16;
	s16 =	simm.s32 $0x1100  }
.LBB2_1:
0x12: {  	s24 =	simm.s32 $0x80;
	s25 =	simm.s32 $0x0  }
.LBB2_2:
0x13: {  	p0 =	sne.s32 s24, $0x13F80;
	[tilespmem:s25+$0x1100] =	vst v0;
	s26 =	smov.u32 s24;
	s24 =	sadd.s32 $0x80, s24  }
.Ltmp0:
0x14: {  	[tilespmem:s25+$0x1110] =	vst v0;
	(pc) =	sbr.rel @p0 .LBB2_2-.Ltmp0, $2  }
0x15: {  	_ =	sdelay $0x2  }
0x16: {  	s25 =	sshra.s32 s26, $0x2  }
0x17: {  	[tilespmem:s25+$0x1100] =	vst v0  }
0x18: {  	[tilespmem:s25+$0x1110] =	vst v0  }
0x19: {  	[spmem:s7] =	stream.linear.scatter [tilespmem:s16], [sflag:$0x2], $0x5000, $0x38;
	[tilespmem:$0xB900] =	vst v63  }
0x1a: {  	_ =	swait.ge [sflag:s17], $0x5000  }
0x1b: {  	[sflag:s17] =	ssyncset.done $0x0  }
0x1c: {  	s26 =	simm.s32 $0x0;
	s24 =	simm.s32 $0xB180;
	[sflag:s17] =	ssyncadd.s32 $0xFFFFB000  }
0x1d: {  	s25 =	simm.s32 $0x10;
	s26 =	sand.u32 $0x70, s26;
	[tilespmem:s24+$0x0] =	vst v0  }
.LBB2_4:
0x1e: {  	p0 =	sne.s32 s25, $0x270  }
0x1f: {  	[tilespmem:s26+$0xB100] =	vst v1;
	s24 =	sadd.s32 $0x10, s24;
	s26 =	smov.u32 s25;
	s25 =	sadd.s32 $0x10, s25  }
.Ltmp1:
0x20: {  	(pc) =	sbr.rel @p0 .LBB2_4-.Ltmp1, $2  }
0x21: {  	_ =	sdelay $0x2  }
0x22: {  	s26 =	sand.u32 $0x70, s26;
	[tilespmem:s24+$0x0] =	vst v0  }
0x23: {  	[tilespmem:s26+$0xB100] =	vst v1  }
0x24: {  	[spmem:s8] =	stream.linear.scatter [tilespmem:s18], [sflag:$0x2], $0x280, $0x38;
	[tilespmem:$0xB900] =	vst v63  }
0x25: {  	_ =	swait.ge [sflag:s17], $0x280  }
0x26: {  	[sflag:s17] =	ssyncset.done $0x0  }
0x27: {  	[sflag:s17] =	ssyncadd.s32 $0xFFFFFD80  }
0x28: {  	[spmem:s9] =	stream.linear.scatter [tilespmem:s18], [sflag:$0x2], $0x280, $0x38;
	[tilespmem:$0xB900] =	vst v63  }
0x29: {  	_ =	swait.ge [sflag:s17], $0x280  }
0x2a: {  	[sflag:s17] =	ssyncset.done $0x0  }
0x2b: {  	[sflag:s17] =	ssyncadd.s32 $0xFFFFFD80  }
0x2c: {  	s24 =	sadd.s32 $0x0, s15;
	[bflag:$0x0] =	sbarrier.arrive $0xFFFF  }
0x2d: {  	[tilespmem:s5], [sflag:$0x2] =	stream.linear.gather [hbm4b:s24+s5], $0x80, $0x38;
	[tilespmem:$0xB900] =	vst v63  }
0x2e: {  	_ =	swait.ge [sflag:s17], $0x80  }
0x2f: {  	[sflag:s17] =	ssyncset.done $0x0  }
0x30: {  	s31 =	sadd.s32 $0x0, s14;
	[sflag:s17] =	ssyncadd.s32 $0xFFFFFF80  }
0x31: {  	[tilespmem:s19], [sflag:$0x2] =	stream.linear.gather [hbm4b:s31+s5], $0x80, $0x38;
	[tilespmem:$0xB900] =	vst v63  }
0x32: {  	_ =	swait.ge [sflag:s17], $0x80  }
0x33: {  	[sflag:s17] =	ssyncset.done $0x0  }
0x34: {  	[sflag:s17] =	ssyncadd.s32 $0xFFFFFF80  }
0x35: {  	[tilespmem:s20], [sflag:$0x1] =	stream.indirect.gather [hbm4b:s6+s19], $0x20, s5, s19, $0xb8;
	[tilespmem:$0xB900] =	vst v63  }
0x36: {  	_ =	swait.ge [sflag:s21], $0x1000  }
0x37: {  	[sflag:s21] =	ssyncset.done $0x0  }
0x38: {  	[sflag:s21] =	ssyncadd.s32 $0xFFFFF000  }
0x39: {  	[spmem:s1] =	stream.indirect.scatter.add.f32 [tilespmem:s20], [sflag:$0x2], $0x20, s19, s19, $0xb8;
	[tilespmem:$0xB900] =	vst v63  }
0x3a: {  	_ =	swait.ge [sflag:s17], $0x1000  }
0x3b: {  	[sflag:s17] =	ssyncset.done $0x0  }
0x3c: {  	[sflag:s17] =	ssyncadd.s32 $0xFFFFF000  }
0x3d: {  	[spmem:s3] =	stream.indirect.scatter.add.f32 [tilespmem:s22], [sflag:$0x2], $0x1, s5, s19, $0xb8;
	[tilespmem:$0xB900] =	vst v63  }
0x3e: {  	_ =	swait.ge [sflag:s17], $0x80  }
0x3f: {  	[sflag:s17] =	ssyncset.done $0x0  }
0x40: {  	[sflag:s17] =	ssyncadd.s32 $0xFFFFFF80  }
0x41: {  	[spmem:s4] =	stream.indirect.scatter.add.f32 [tilespmem:s22], [sflag:$0x2], $0x1, s19, s19, $0xb8;
	[tilespmem:$0xB900] =	vst v63  }
0x42: {  	_ =	swait.ge [sflag:s17], $0x80  }
0x43: {  	s25 =	simm.s32 $0x20;
	s24 =	simm.s32 $0x10;
	[sflag:s17] =	ssyncset.done $0x0  }
.LBB2_6:
0x44: {  	s26 =	sadd.s32 s24, s15  }
0x45: {  	[sflag:s17] =	ssyncadd.s32 $0xFFFFFF80;
	s28 =	smov.u32 s25;
	s29 =	sadd.s32 $0x10, s25  }
0x46: {  	[tilespmem:s5], [sflag:$0x2] =	stream.linear.gather [hbm4b:s26+s5], $0x80, $0x38;
	[tilespmem:$0xB900] =	vst v63  }
0x47: {  	p0 =	sne.s32 s25, $0x270;
	_ =	swait.ge [sflag:s17], $0x80  }
0x48: {  	[sflag:s17] =	ssyncset.done $0x0  }
0x49: {  	s25 =	sadd.s32 s24, s14;
	s24 =	smov.u32 s28;
	[sflag:s17] =	ssyncadd.s32 $0xFFFFFF80  }
0x4a: {  	[tilespmem:s19], [sflag:$0x2] =	stream.linear.gather [hbm4b:s25+s5], $0x80, $0x38;
	[tilespmem:$0xB900] =	vst v63  }
0x4b: {  	_ =	swait.ge [sflag:s17], $0x80  }
0x4c: {  	[sflag:s17] =	ssyncset.done $0x0  }
0x4d: {  	[sflag:s17] =	ssyncadd.s32 $0xFFFFFF80  }
0x4e: {  	[tilespmem:s20], [sflag:$0x1] =	stream.indirect.gather [hbm4b:s6+s19], $0x20, s5, s19, $0xb8;
	[tilespmem:$0xB900] =	vst v63  }
0x4f: {  	_ =	swait.ge [sflag:s21], $0x1000  }
0x50: {  	[sflag:s21] =	ssyncset.done $0x0  }
0x51: {  	[sflag:s21] =	ssyncadd.s32 $0xFFFFF000  }
0x52: {  	[spmem:s1] =	stream.indirect.scatter.add.f32 [tilespmem:s20], [sflag:$0x2], $0x20, s19, s19, $0xb8;
	[tilespmem:$0xB900] =	vst v63  }
0x53: {  	_ =	swait.ge [sflag:s17], $0x1000  }
0x54: {  	[sflag:s17] =	ssyncset.done $0x0  }
0x55: {  	[sflag:s17] =	ssyncadd.s32 $0xFFFFF000  }
0x56: {  	[spmem:s3] =	stream.indirect.scatter.add.f32 [tilespmem:s22], [sflag:$0x2], $0x1, s5, s19, $0xb8;
	[tilespmem:$0xB900] =	vst v63  }
0x57: {  	_ =	swait.ge [sflag:s17], $0x80  }
.Ltmp2:
0x58: {  	[sflag:s17] =	ssyncset.done $0x0;
	(pc) =	sbr.rel @p0 .LBB2_6-.Ltmp2, $4  }
0x59: {  	[sflag:s17] =	ssyncadd.s32 $0xFFFFFF80  }
0x5a: {  	[spmem:s4] =	stream.indirect.scatter.add.f32 [tilespmem:s22], [sflag:$0x2], $0x1, s19, s19, $0xb8;
	[tilespmem:$0xB900] =	vst v63  }
0x5b: {  	_ =	swait.ge [sflag:s17], $0x80  }
0x5c: {  	s25 =	smov.u32 s29;
	[sflag:s17] =	ssyncset.done $0x0  }
0x5d: {  	s25 =	sadd.s32 s24, s15;
	[sflag:s17] =	ssyncadd.s32 $0xFFFFFF80  }
0x5e: {  	[tilespmem:s5], [sflag:$0x2] =	stream.linear.gather [hbm4b:s25+s5], $0x80, $0x38;
	[tilespmem:$0xB900] =	vst v63  }
0x5f: {  	_ =	swait.ge [sflag:s17], $0x80  }
0x60: {  	[sflag:s17] =	ssyncset.done $0x0  }
0x61: {  	s26 =	sadd.s32 s24, s14;
	[sflag:s17] =	ssyncadd.s32 $0xFFFFFF80  }
0x62: {  	[tilespmem:s19], [sflag:$0x2] =	stream.linear.gather [hbm4b:s26+s5], $0x80, $0x38;
	[tilespmem:$0xB900] =	vst v63  }
0x63: {  	_ =	swait.ge [sflag:s17], $0x80  }
0x64: {  	[sflag:s17] =	ssyncset.done $0x0  }
0x65: {  	[sflag:s17] =	ssyncadd.s32 $0xFFFFFF80  }
0x66: {  	[tilespmem:s20], [sflag:$0x1] =	stream.indirect.gather [hbm4b:s6+s19], $0x20, s5, s19, $0xb8;
	[tilespmem:$0xB900] =	vst v63  }
0x67: {  	_ =	swait.ge [sflag:s21], $0x1000  }
0x68: {  	[sflag:s21] =	ssyncset.done $0x0  }
0x69: {  	[sflag:s21] =	ssyncadd.s32 $0xFFFFF000  }
0x6a: {  	[spmem:s1] =	stream.indirect.scatter.add.f32 [tilespmem:s20], [sflag:$0x2], $0x20, s19, s19, $0xb8;
	[tilespmem:$0xB900] =	vst v63  }
0x6b: {  	_ =	swait.ge [sflag:s17], $0x1000  }
0x6c: {  	[sflag:s17] =	ssyncset.done $0x0  }
0x6d: {  	[sflag:s17] =	ssyncadd.s32 $0xFFFFF000  }
0x6e: {  	[spmem:s3] =	stream.indirect.scatter.add.f32 [tilespmem:s22], [sflag:$0x2], $0x1, s5, s19, $0xb8;
	[tilespmem:$0xB900] =	vst v63  }
0x6f: {  	_ =	swait.ge [sflag:s17], $0x80  }
0x70: {  	[sflag:s17] =	ssyncset.done $0x0  }
0x71: {  	[sflag:s17] =	ssyncadd.s32 $0xFFFFFF80  }
0x72: {  	[spmem:s4] =	stream.indirect.scatter.add.f32 [tilespmem:s22], [sflag:$0x2], $0x1, s19, s19, $0xb8;
	[tilespmem:$0xB900] =	vst v63  }
0x73: {  	_ =	swait.ge [sflag:s17], $0x80  }
0x74: {  	[sflag:s17] =	ssyncset.done $0x0  }
0x75: {  	s28 =	sshll.u32 s0, $0x6;
	[sflag:s17] =	ssyncadd.s32 $0xFFFFFF80  }
0x76: {  	s29 =	sshrl.u32 s7, $0x3;
	s24 =	sor.u32 $0x1C02, s28;
	[bflag:$0x0] =	sbarrier.arrive $0xFFFF  }
0x77: {  	[hbm:s10], [sflag:s24] =	dma.local [spmem:s29], $0xA00  }
0x78: {  	_ =	swait.ge [sflag:s17], $0xA00  }
0x79: {  	[sflag:s17] =	ssyncset.done $0x0  }
0x7a: {  	s30 =	sshrl.u32 s8, $0x3;
	[sflag:s17] =	ssyncadd.s32 $0xFFFFF600  }
0x7b: {  	[hbm:s11], [sflag:s24] =	dma.local [spmem:s30], $0x50  }
0x7c: {  	s23 =	sadd.s32 $0x1, s23;
	_ =	swait.ge [sflag:s17], $0x50  }
0x7d: {  	p0 =	sne.s32 s23, s13;
	[sflag:s17] =	ssyncset.done $0x0  }
.Ltmp3:
0x7e: {  	s31 =	sshrl.u32 s9, $0x3;
	[sflag:s17] =	ssyncadd.s32 $0xFFFFFFB0;
	(pc) =	sbr.rel @p0 .LBB2_1-.Ltmp3, $4  }
0x7f: {  	[hbm:s12], [sflag:s24] =	dma.local [spmem:s31], $0x50  }
0x80: {  	_ =	swait.ge [sflag:s17], $0x50  }
0x81: {  	[sflag:s17] =	ssyncset.done $0x0  }
0x82: {  	[sflag:s17] =	ssyncadd.s32 $0xFFFFFFB0  }
0x83: {  	_ =	sfence.sel $0x180000  }
0x84: {  	[bflag:$0x0] =	sbarrier.arrive $0xFFFF  }
0x85: {  	p0 =	sne.s32 s0, $0x0;
	_ =	strace $0x90000047  }
0x86: {  	s0 =	sadd.s32 @!p0 $0x100000, s2;
	[bflag:$0x2] =	sbarrier.arrive $0xFFFF  }
0x87: {  	[sflag:s0] =	ssyncadd.tile.s32 @!p0 $0x1;
	_ =	shalt  }
.Lfunc_end2:
_tile_overlayer_lowered:
.L_overlay_start_2:
0x88: {  	(tag) =	ssettag $0x2  }
0x89: {  	s0 =	rddreg [dreg:$0x0];
	s2 =	stileid.u32  }
0x8a: {  	s1 =	rddreg [dreg:$0x1];
	p0 =	sne.s32 s2, $0x0  }
0x8b: {  	s3 =	rddreg [dreg:$0x2];
	[bflag:$0x3] =	sbarrier.arrive $0xFFFF;
	s2 =	simm.s32 @!p0 $0x1C02  }
0x8c: {  	[timem:s3], [sflag:s2] =	dma.local @!p0 [hbm:s0], s1  }
0x8d: {  	s0 =	simm.s32 @!p0 $0x2  }
0x8e: {  	_ =	swait.ge @!p0 [sflag:s0], s1  }
0x8f: {  	s1 =	ssub.s32 @!p0 $0x0, s1;
	[sflag:s0] =	ssyncset.done @!p0 $0x0  }
0x90: {  	[sflag:s0] =	ssyncadd.s32 @!p0 s1  }
0x91: {  	[bflag:$0x3] =	sbarrier.arrive $0xFFFF  }
0x92: {  	_ =	shalt  }

// kernel: kernel.14.cloned.1.call-start
scs
__scs_entry_jumppad:
0x0: {  	(pc) =	sbr.rel $0x88, $3  }
0x1: {  	(tag) =	ssettag $0x0;
	lr =	simm.s32 $0x1  }
0x2: {  	[smem:$0x3F9B] =	sst lr;
	_ =	strace $0xD0000000  }
0x3: {  	_ = 	snop  }
0x4: {  	_ = 	snop  }
0x5: {  	_ = 	snop  }
0x6: {  	_ = 	snop  }
0x7: {  	_ = 	snop  }
__scs_overlays_trampoline_lowered:
0x8: {  	[smem:$0x3FAA] =	sst s0  }
0x9: {  	[smem:$0x3FAB] =	sst s1  }
0xa: {  	[smem:$0x3FAC] =	sst s2  }
0xb: {  	[smem:$0x3FAD] =	sst s3  }
0xc: {  	[smem:$0x3FAE] =	sst s4  }
0xd: {  	[smem:$0x3FAF] =	sst s5  }
0xe: {  	[smem:$0x3FB0] =	sst s6  }
0xf: {  	[smem:$0x3FB1] =	sst s7  }
0x10: {  	[smem:$0x3FB2] =	sst s8  }
0x11: {  	[smem:$0x3FB3] =	sst s9;
	s0 =	simm.s32 @!p0 $0x0  }
0x12: {  	s1 =	sld [smem:$0x3F99];
	s0 =	simm.s32 @p0 $0x1  }
0x13: {  	[smem:$0x3FB4] =	sst s0;
	s0 =	simm.s32 @!p1 $0x0  }
0x14: {  	s2 =	sld [smem:$0x3F98];
	s0 =	simm.s32 @p1 $0x1  }
0x15: {  	[smem:$0x3FB5] =	sst s0;
	s0 =	simm.s32 @!p2 $0x0  }
0x16: {  	s3 =	sld [smem:$0x3FDB];
	s0 =	simm.s32 @p2 $0x1  }
0x17: {  	s4 =	simm.s32 $0x1BF5;
	[smem:$0x3FB7] =	sst s0  }
0x18: {  	s0 =	sld [smem:$0x3F9A];
	_ =	swait.ge [sflag:s4], $0x0  }
0x19: {  	s7 =	sld [smem:$0x3F9B]  }
0x1a: {  	s8 =	sadd.s32 $0xFFFFE003, lr  }
0x1b: {  	s9 =	sadd.s32 $0xFFFFFEF7, lr;
	s5 =	simm.s32 $0xFFFFFFFF;
	p2 =	slt.u32 s8, $0xFFFFF086  }
0x1c: {  	p1 =	slt.u32 s9, $0xF7A;
	s5 =	simm.s32 @!p2 $0x0  }
0x1d: {  	s5 =	simm.s32 @p1 $0x1;
	p0 =	seq.s32 s7, s2  }
0x1e: {  	s7 =	smul.u32 @!p0 $0xF7A, s2;
	p2 =	seq.s32 @!p0 s5, $0x0  }
0x1f: {  	s9 =	smul.u32 $0xF7A, s1;
	s8 =	simm.s32 @!p0 $0x1BF5;
	p2 =	por !p2, p0  }
0x20: {  	[sflag:s8] =	ssyncset.s32 @!p0 $0xFFFFF086;
	s6 =	sadd.s32 @!p0 s3, s7;
	s7 =	simm.s32 @!p0 $0x108  }
0x21: {  	s3 =	sadd.s32 s3, s9;
	s6 =	sadd.s32 @!p0 $0x88, s6;
	s7 =	simm.s32 @p2 $0x1082  }
0x22: {  	[simem:s7], [sflag:s8] =	dma.local @!p0 [hbm:s6], $0xF7A  }
0x23: {  	s9 =	sor.u32 $0xD0000000, s2;
	s6 =	simm.s32 $0x108;
	_ =	swait.ge @!p0 [sflag:s8], $0x0  }
0x24: {  	s3 =	sadd.s32 $0x88, s3;
	s6 =	simm.s32 @!p1 $0x1082;
	[sflag:s4] =	ssyncset.s32 $0xFFFFF086  }
0x25: {  	[simem:s6], [sflag:s4] =	dma.local [hbm:s3], $0xF7A  }
0x26: {  	[smem:$0x3F9B] =	sst s1;
	(tag) =	ssettag s2;
	_ =	strace s9  }
0x27: {  	s1 =	sld [smem:$0x3FAB]  }
0x28: {  	s2 =	sld [smem:$0x3FAC]  }
0x29: {  	s4 =	sld [smem:$0x3FAE]  }
0x2a: {  	p0 =	seq.s32 s5, $0x0;
	s5 =	sld [smem:$0x3FAF]  }
0x2b: {  	s6 =	sld [smem:$0x3FB0]  }
0x2c: {  	s7 =	sld [smem:$0x3FB1]  }
0x2d: {  	s3 =	simm.s32 $0x108;
	s8 =	sld [smem:$0x3FB2]  }
0x2e: {  	s3 =	simm.s32 @!p0 $0x1082;
	s9 =	sld [smem:$0x3FB3]  }
0x2f: {  	lr =	sadd.s32 s0, s3;
	s0 =	sld [smem:$0x3FAA]  }
0x30: {  	s3 =	sld [smem:$0x3FAD]  }
0x31: {  	[smem:$0x3FB6] =	sst s10  }
0x32: {  	s10 =	sld [smem:$0x3FB4];
	_ =	sdelay $0x3  }
0x33: {  	p0 =	seq.s32 s10, $0x1;
	s10 =	sld [smem:$0x3FB6];
	_ =	sdelay $0x3  }
0x34: {  	[smem:$0x3FB6] =	sst s10  }
0x35: {  	s10 =	sld [smem:$0x3FB5];
	_ =	sdelay $0x3  }
0x36: {  	p1 =	seq.s32 s10, $0x1;
	s10 =	sld [smem:$0x3FB6];
	_ =	sdelay $0x3  }
0x37: {  	[smem:$0x3FB6] =	sst s10  }
0x38: {  	s10 =	sld [smem:$0x3FB7]  }
0x39: {  	_ = 	snop;
	(pc) =	sbr.ind lr, $3  }
0x3a: {  	_ = 	snop  }
0x3b: {  	_ = 	snop  }
0x3c: {  	p2 =	seq.s32 s10, $0x1;
	s10 =	sld [smem:$0x3FB6]  }
0x3d: {  	_ =	shalt  }
0x3e: {  	_ =	shalt  }
0x3f: {  	_ =	shalt  }
0x40: {  	_ =	shalt  }
0x41: {  	_ =	shalt  }
0x42: {  	_ =	shalt  }
0x43: {  	_ =	shalt  }
0x44: {  	_ =	shalt  }
0x45: {  	_ =	shalt  }
0x46: {  	_ =	shalt  }
0x47: {  	_ =	shalt  }
0x48: {  	_ =	shalt  }
0x49: {  	_ =	shalt  }
0x4a: {  	_ =	shalt  }
0x4b: {  	_ =	shalt  }
0x4c: {  	_ =	shalt  }
0x4d: {  	_ =	shalt  }
0x4e: {  	_ =	shalt  }
0x4f: {  	_ =	shalt  }
0x50: {  	_ =	shalt  }
0x51: {  	_ =	shalt  }
0x52: {  	_ =	shalt  }
0x53: {  	_ =	shalt  }
0x54: {  	_ =	shalt  }
0x55: {  	_ =	shalt  }
0x56: {  	_ =	shalt  }
0x57: {  	_ =	shalt  }
0x58: {  	_ =	shalt  }
0x59: {  	_ =	shalt  }
0x5a: {  	_ =	shalt  }
0x5b: {  	_ =	shalt  }
0x5c: {  	_ =	shalt  }
0x5d: {  	_ =	shalt  }
0x5e: {  	_ =	shalt  }
0x5f: {  	_ =	shalt  }
0x60: {  	_ =	shalt  }
0x61: {  	_ =	shalt  }
0x62: {  	_ =	shalt  }
0x63: {  	_ =	shalt  }
0x64: {  	_ =	shalt  }
0x65: {  	_ =	shalt  }
0x66: {  	_ =	shalt  }
0x67: {  	_ =	shalt  }
0x68: {  	_ =	shalt  }
0x69: {  	_ =	shalt  }
0x6a: {  	_ =	shalt  }
0x6b: {  	_ =	shalt  }
0x6c: {  	_ =	shalt  }
0x6d: {  	_ =	shalt  }
0x6e: {  	_ =	shalt  }
0x6f: {  	_ =	shalt  }
0x70: {  	_ =	shalt  }
0x71: {  	_ =	shalt  }
0x72: {  	_ =	shalt  }
0x73: {  	_ =	shalt  }
0x74: {  	_ =	shalt  }
0x75: {  	_ =	shalt  }
0x76: {  	_ =	shalt  }
0x77: {  	_ =	shalt  }
0x78: {  	_ =	shalt  }
0x79: {  	_ =	shalt  }
0x7a: {  	_ =	shalt  }
0x7b: {  	_ =	shalt  }
0x7c: {  	_ =	shalt  }
0x7d: {  	_ =	shalt  }
0x7e: {  	_ =	shalt  }
0x7f: {  	_ =	shalt  }
0x80: {  	_ =	shalt  }
0x81: {  	_ =	shalt  }
0x82: {  	_ =	shalt  }
0x83: {  	_ =	shalt  }
0x84: {  	_ =	shalt  }
0x85: {  	_ =	shalt  }
0x86: {  	_ =	shalt  }
0x87: {  	_ =	shalt  }
.Lfunc_end0:
.L_simem_size_0:
called_computation.1_lowered:
.L_overlay_start_0:
0x88: {  	s2 =	sld [smem:$0x3FD9]  }
0x89: {  	s3 =	sld [smem:$0x3FFE];
	_ =	sdelay $0x1  }
0x8a: {  	s1 =	srdreg.scid  }
0x8b: {  	s0 =	sand.u32 $0x1, s1  }
0x8c: {  	s16 =	sshll.u32 s0, $0xA;
	s2 =	sadd.s32 s3, s2  }
0x8d: {  	s2 =	sadd.s32 s2, s16  }
0x8e: {  	[smem:$0x3FC2] =	sst s2  }
0x8f: {  	_ = 	snop  }
0x90: {  	(tm) =	ssettm $0x1  }
0x91: {  	s17 =	sld [smem:$0x3FFB];
	_ =	sdelay $0x3  }
0x92: {  	_ =	strace s17  }
0x93: {  	s2 =	sld [smem:$0x3FFC];
	_ =	sdelay $0x3  }
0x94: {  	_ =	strace s2  }
0x95: {  	s2 =	sld [smem:$0x3FFD];
	_ =	sdelay $0x3  }
0x96: {  	_ =	strace s2  }
0x97: {  	_ =	strace $0x8FFFFFFF  }
0x98: {  	s18 =	sld [smem:$0x3FDB];
	_ =	sdelay $0x1  }
0x99: {  	s19 =	simm.s32 $_scs_section_size  }
0x9a: {  	s4 =	simm.s32 $_size__tile_overlayer_lowered;
	s5 =	simm.s32 $_tile_overlayer_lowered  }
0x9b: {  	s22 =	simm.s32 $0x1BFF;
	s21 =	sshll.u32 s5, $0x1;
	s2 =	sadd.s32 s19, s18  }
0x9c: {  	s6 =	simm.s32 $0x0;
	s20 =	sshll.u32 s4, $0x1;
	s4 =	sadd.s32 s21, s2  }
0x9d: {  	[timem:s6], [sflag:s22] =	dma.local [hbm:s4], s20  }
0x9e: {  	_ =	swait.ge [sflag:s22], s20  }
0x9f: {  	s3 =	ssub.s32 $0x0, s20;
	[sflag:s22] =	ssyncset.done $0x0  }
0xa0: {  	[sflag:s22] =	ssyncadd.s32 s3;
	_ =	sdelay $0x1  }
0xa1: {  	s23 =	simm.s32 $0x1B8B  }
0xa2: {  	_ =	swait.ge [sflag:s23], $0x1  }
0xa3: {  	[sflag:s23] =	ssyncset.done $0x0  }
0xa4: {  	s25 =	simm.s32 $0x1B8E;
	s24 =	sld [smem:$0x3FFE];
	[sflag:s23] =	ssyncadd.s32 $0xFFFFFFFF  }
0xa5: {  	s26 =	simm.s32 $execute0_lowered;
	[smem:$0x3FD2] =	sst s25  }
0xa6: {  	s4 =	sshll.u32 s26, $0x1;
	_ =	strace $0x80000049;
	[dreg:$0x1] =	wrdreg $0xFFFFFFFF  }
0xa7: {  	s28 =	simm.s32 $_size_execute0_lowered;
	s2 =	sadd.s32 s2, s4;
	[dreg:$0x0] =	wrdreg $0x0  }
0xa8: {  	s4 =	sshll.u32 s28, $0x1;
	[dreg:$0x2] =	wrdreg s2  }
0xa9: {  	[dreg:$0x3] =	wrdreg s4  }
0xaa: {  	[dreg:$0x4] =	wrdreg $0xC0  }
0xab: {  	_ =	task [dreg:s6], $0x5FFFF  }
0xac: {  	[dreg:$0x1] =	wrdreg $0xFFFFFFFF  }
0xad: {  	[dreg:$0x0] =	wrdreg $0x60  }
0xae: {  	[dreg:$0x2] =	wrdreg s24  }
0xaf: {  	[dreg:$0x3] =	wrdreg $0x61000  }
0xb0: {  	[dreg:$0x4] =	wrdreg $0x9  }
0xb1: {  	_ =	task.clear_ibuf [dreg:s6], $0x5FFFF;
	_ =	strace $0x90000049  }
0xb2: {  	s29 =	simm.s32 $0x9;
	_ =	strace $0x8000004B  }
0xb3: {  	_ =	swait.ge [sflag:s29], $0x1  }
0xb4: {  	[sflag:s29] =	ssyncadd.s32 $0xFFFFFFFF  }
0xb5: {  	_ =	strace $0x9000004B  }
0xb6: {  	_ =	sfence  }
0xb7: {  	s30 =	sld [smem:$0x0];
	_ =	sdelay $0x2  }
0xb8: {  	s31 =	sshll.u32 s1, $0xD;
	s1 =	sshrl.u32 s1, $0x2  }
0xb9: {  	s3 =	sand.u32 $0x4000, s31;
	s1 =	sadd.s32 s1, s30  }
0xba: {  	s0 =	sor.u32 s3, s0;
	s1 =	sshll.u32 s1, $0x11  }
0xbb: {  	s0 =	sor.u32 s1, s0  }
0xbc: {  	s0 =	sadd.s32 $0x8F2B, s0  }
0xbd: {  	[sflag:s0] =	ssyncadd.remote.s32 $0x1  }
0xbe: {  	_ =	sfence.sel $0xFFFF  }
0xbf: {  	[dreg:$0x0] =	wrdreg $0xFFFFFFFF;
	(pc) =	sbr.abs _section_cstart, $3  }
0xc0: {  	[dreg:$0x1] =	wrdreg $0xFFFFFFFF  }
0xc1: {  	_ =	task.clear_ibuf [dreg:s6], $0x2FFFF;
	_ =	strace $0x9FFFFFFF  }
0xc2: {  	(tm) =	ssettm $0x7FFFFFFF  }
0xc3: {  	_ =	shalt  }
tec
execute0_lowered:
.L_overlay_start_1:
0x0: {  	(tag) =	ssettag $0x1  }
0x1: {  	s5 =	rddreg [dreg:$0x0]  }
0x2: {  	s2 =	rddreg [dreg:$0x1]  }
0x3: {  	s0 =	rddreg [dreg:$0x2];
	s1 =	stileid.u32  }
0x4: {  	s3 =	simm.s32 $0x0;
	s4 =	srdreg.scid;
	s12 =	simm.s32 $0x80  }
0x5: {  	s13 =	simm.s32 $0x100;
	s14 =	simm.s32 $0x1;
	s6 =	smul.u32 $0x500, s1  }
0x6: {  	s17 =	simm.s32 $0x0;
	[smem:$0x7FF] =	sst s3;
	s8 =	smul.u32 $0xA00, s1  }
0x7: {  	s7 =	sand.u32 $0x1, s4;
	s4 =	sadd.s32 $0x1600, s5;
	s11 =	smul.u32 $0x14000, s1  }
0x8: {  	s15 =	sshll.u32 s1, $0x6;
	_ =	strace $0x8000004A;
	s9 =	smul.u32 $0xA000, s7  }
0x9: {  	s29 =	ssub.s32 $0x2, s7;
	s7 =	smul.u32 $0x280, s7;
	s15 =	sor.u32 $0x1C02, s15  }
0xa: {  	s10 =	sadd.s32 s6, s5;
	s30 =	sshrl.u32 s29, $0x1;
	s31 =	sshrl.u32 s11, $0x2  }
0xb: {  	s11 =	simm.s32 $0x2;
	s8 =	sadd.s32 s8, s9;
	s9 =	ssub.s32 s29, s30  }
0xc: {  	s10 =	sadd.s32 s7, s10;
	s8 =	sadd.s32 s8, s5;
	s5 =	sadd.s32 s31, s2  }
0xd: {  	s7 =	smax.u32 s9, $0x1;
	s9 =	sadd.s32 $0xB600, s10;
	s6 =	sadd.s32 $0x15600, s8  }
0xe: {  	v0 =	vimm.f32 $0.0e+00;
	s8 =	sadd.s32 $0x10600, s10;
	s10 =	simm.s32 $0x1100;
	s16 =	sshrl.u32 s5, $0x3  }
.LBB2_1:
0xf: {  	s18 =	simm.s32 $0x80;
	s19 =	simm.s32 $0x0  }
.LBB2_2:
0x10: {  	p0 =	sne.s32 s18, $0x13F80;
	[tilespmem:s19+$0x1100] =	vst v0;
	s20 =	smov.u32 s18;
	s18 =	sadd.s32 $0x80, s18  }
.Ltmp0:
0x11: {  	[tilespmem:s19+$0x1110] =	vst v0;
	(pc) =	sbr.rel @p0 .LBB2_2-.Ltmp0, $2  }
0x12: {  	_ =	sdelay $0x2  }
0x13: {  	s19 =	sshra.s32 s20, $0x2  }
0x14: {  	[tilespmem:s19+$0x1100] =	vst v0  }
0x15: {  	[tilespmem:s19+$0x1110] =	vst v0  }
0x16: {  	[spmem:s5] =	stream.linear.scatter [tilespmem:s10], [sflag:$0x2], $0x5000, $0x38;
	[tilespmem:$0xB100] =	vst v63  }
0x17: {  	_ =	swait.ge [sflag:s11], $0x5000  }
0x18: {  	[sflag:s11] =	ssyncset.done $0x0  }
0x19: {  	[sflag:s11] =	ssyncadd.s32 $0xFFFFB000  }
0x1a: {  	s18 =	sadd.s32 $0x0, s9;
	[bflag:$0x0] =	sbarrier.arrive $0xFFFF  }
0x1b: {  	[tilespmem:s3], [sflag:$0x2] =	stream.linear.gather [hbm4b:s18+s3], $0x80, $0x38;
	[tilespmem:$0xB100] =	vst v63  }
0x1c: {  	_ =	swait.ge [sflag:s11], $0x80  }
0x1d: {  	[sflag:s11] =	ssyncset.done $0x0  }
0x1e: {  	s31 =	sadd.s32 $0x0, s8;
	[sflag:s11] =	ssyncadd.s32 $0xFFFFFF80  }
0x1f: {  	[tilespmem:s12], [sflag:$0x2] =	stream.linear.gather [hbm4b:s31+s3], $0x80, $0x38;
	[tilespmem:$0xB100] =	vst v63  }
0x20: {  	_ =	swait.ge [sflag:s11], $0x80  }
0x21: {  	[sflag:s11] =	ssyncset.done $0x0  }
0x22: {  	[sflag:s11] =	ssyncadd.s32 $0xFFFFFF80  }
0x23: {  	[tilespmem:s13], [sflag:$0x1] =	stream.indirect.gather [hbm4b:s4+s12], $0x20, s3, s12, $0xb8;
	[tilespmem:$0xB100] =	vst v63  }
0x24: {  	_ =	swait.ge [sflag:s14], $0x1000  }
0x25: {  	[sflag:s14] =	ssyncset.done $0x0  }
0x26: {  	[sflag:s14] =	ssyncadd.s32 $0xFFFFF000  }
0x27: {  	[spmem:s2] =	stream.indirect.scatter.add.f32 [tilespmem:s13], [sflag:$0x2], $0x20, s12, s12, $0xb8;
	[tilespmem:$0xB100] =	vst v63  }
0x28: {  	_ =	swait.ge [sflag:s11], $0x1000  }
0x29: {  	s19 =	simm.s32 $0x20;
	s18 =	simm.s32 $0x10;
	[sflag:s11] =	ssyncset.done $0x0  }
.LBB2_4:
0x2a: {  	s20 =	sadd.s32 s18, s9  }
0x2b: {  	[sflag:s11] =	ssyncadd.s32 $0xFFFFF000;
	s21 =	smov.u32 s19;
	s22 =	sadd.s32 $0x10, s19  }
0x2c: {  	[tilespmem:s3], [sflag:$0x2] =	stream.linear.gather [hbm4b:s20+s3], $0x80, $0x38;
	[tilespmem:$0xB100] =	vst v63  }
0x2d: {  	p0 =	sne.s32 s19, $0x270;
	_ =	swait.ge [sflag:s11], $0x80  }
0x2e: {  	[sflag:s11] =	ssyncset.done $0x0  }
0x2f: {  	s19 =	sadd.s32 s18, s8;
	s18 =	smov.u32 s21;
	[sflag:s11] =	ssyncadd.s32 $0xFFFFFF80  }
0x30: {  	[tilespmem:s12], [sflag:$0x2] =	stream.linear.gather [hbm4b:s19+s3], $0x80, $0x38;
	[tilespmem:$0xB100] =	vst v63  }
0x31: {  	_ =	swait.ge [sflag:s11], $0x80  }
0x32: {  	[sflag:s11] =	ssyncset.done $0x0  }
0x33: {  	[sflag:s11] =	ssyncadd.s32 $0xFFFFFF80  }
0x34: {  	[tilespmem:s13], [sflag:$0x1] =	stream.indirect.gather [hbm4b:s4+s12], $0x20, s3, s12, $0xb8;
	[tilespmem:$0xB100] =	vst v63  }
0x35: {  	_ =	swait.ge [sflag:s14], $0x1000  }
.Ltmp1:
0x36: {  	[sflag:s14] =	ssyncset.done $0x0;
	(pc) =	sbr.rel @p0 .LBB2_4-.Ltmp1, $4  }
0x37: {  	[sflag:s14] =	ssyncadd.s32 $0xFFFFF000  }
0x38: {  	[spmem:s2] =	stream.indirect.scatter.add.f32 [tilespmem:s13], [sflag:$0x2], $0x20, s12, s12, $0xb8;
	[tilespmem:$0xB100] =	vst v63  }
0x39: {  	_ =	swait.ge [sflag:s11], $0x1000  }
0x3a: {  	s19 =	smov.u32 s22;
	[sflag:s11] =	ssyncset.done $0x0  }
0x3b: {  	s19 =	sadd.s32 s18, s9;
	[sflag:s11] =	ssyncadd.s32 $0xFFFFF000  }
0x3c: {  	[tilespmem:s3], [sflag:$0x2] =	stream.linear.gather [hbm4b:s19+s3], $0x80, $0x38;
	[tilespmem:$0xB100] =	vst v63  }
0x3d: {  	_ =	swait.ge [sflag:s11], $0x80  }
0x3e: {  	[sflag:s11] =	ssyncset.done $0x0  }
0x3f: {  	s31 =	sadd.s32 s18, s8;
	[sflag:s11] =	ssyncadd.s32 $0xFFFFFF80  }
0x40: {  	[tilespmem:s12], [sflag:$0x2] =	stream.linear.gather [hbm4b:s31+s3], $0x80, $0x38;
	[tilespmem:$0xB100] =	vst v63  }
0x41: {  	_ =	swait.ge [sflag:s11], $0x80  }
0x42: {  	[sflag:s11] =	ssyncset.done $0x0  }
0x43: {  	[sflag:s11] =	ssyncadd.s32 $0xFFFFFF80  }
0x44: {  	[tilespmem:s13], [sflag:$0x1] =	stream.indirect.gather [hbm4b:s4+s12], $0x20, s3, s12, $0xb8;
	[tilespmem:$0xB100] =	vst v63  }
0x45: {  	_ =	swait.ge [sflag:s14], $0x1000  }
0x46: {  	[sflag:s14] =	ssyncset.done $0x0  }
0x47: {  	[sflag:s14] =	ssyncadd.s32 $0xFFFFF000  }
0x48: {  	[spmem:s2] =	stream.indirect.scatter.add.f32 [tilespmem:s13], [sflag:$0x2], $0x20, s12, s12, $0xb8;
	[tilespmem:$0xB100] =	vst v63  }
0x49: {  	_ =	swait.ge [sflag:s11], $0x1000  }
0x4a: {  	s17 =	sadd.s32 $0x1, s17;
	[sflag:s11] =	ssyncset.done $0x0  }
0x4b: {  	p0 =	sne.s32 s17, s7;
	[sflag:s11] =	ssyncadd.s32 $0xFFFFF000  }
.Ltmp2:
0x4c: {  	[bflag:$0x0] =	sbarrier.arrive $0xFFFF;
	(pc) =	sbr.rel @p0 .LBB2_1-.Ltmp2, $4  }
0x4d: {  	[hbm:s6], [sflag:s15] =	dma.local [spmem:s16], $0xA00  }
0x4e: {  	_ =	swait.ge [sflag:s11], $0xA00  }
0x4f: {  	[sflag:s11] =	ssyncset.done $0x0  }
0x50: {  	[sflag:s11] =	ssyncadd.s32 $0xFFFFF600  }
0x51: {  	_ =	sfence.sel $0x180000  }
0x52: {  	[bflag:$0x0] =	sbarrier.arrive $0xFFFF  }
0x53: {  	p0 =	sne.s32 s1, $0x0;
	_ =	strace $0x9000004A  }
0x54: {  	s0 =	sadd.s32 @!p0 $0x100000, s0;
	[bflag:$0x2] =	sbarrier.arrive $0xFFFF  }
0x55: {  	[sflag:s0] =	ssyncadd.tile.s32 @!p0 $0x1;
	_ =	shalt  }
.Lfunc_end2:
_tile_overlayer_lowered:
.L_overlay_start_2:
0x56: {  	(tag) =	ssettag $0x2  }
0x57: {  	s0 =	rddreg [dreg:$0x0];
	s2 =	stileid.u32  }
0x58: {  	s1 =	rddreg [dreg:$0x1];
	p0 =	sne.s32 s2, $0x0  }
0x59: {  	s3 =	rddreg [dreg:$0x2];
	[bflag:$0x3] =	sbarrier.arrive $0xFFFF;
	s2 =	simm.s32 @!p0 $0x1C02  }
0x5a: {  	[timem:s3], [sflag:s2] =	dma.local @!p0 [hbm:s0], s1  }
0x5b: {  	s0 =	simm.s32 @!p0 $0x2  }
0x5c: {  	_ =	swait.ge @!p0 [sflag:s0], s1  }
0x5d: {  	s1 =	ssub.s32 @!p0 $0x0, s1;
	[sflag:s0] =	ssyncset.done @!p0 $0x0  }
0x5e: {  	[sflag:s0] =	ssyncadd.s32 @!p0 s1  }
0x5f: {  	[bflag:$0x3] =	sbarrier.arrive $0xFFFF  }
0x60: {  	_ =	shalt  }

// kernel: kernel.17.cloned.1.call-start
scs
__scs_entry_jumppad:
0x0: {  	(pc) =	sbr.rel $0x88, $3  }
0x1: {  	(tag) =	ssettag $0x0;
	lr =	simm.s32 $0x1  }
0x2: {  	[smem:$0x3F9B] =	sst lr;
	_ =	strace $0xD0000000  }
0x3: {  	_ = 	snop  }
0x4: {  	_ = 	snop  }
0x5: {  	_ = 	snop  }
0x6: {  	_ = 	snop  }
0x7: {  	_ = 	snop  }
__scs_overlays_trampoline_lowered:
0x8: {  	[smem:$0x3FAA] =	sst s0  }
0x9: {  	[smem:$0x3FAB] =	sst s1  }
0xa: {  	[smem:$0x3FAC] =	sst s2  }
0xb: {  	[smem:$0x3FAD] =	sst s3  }
0xc: {  	[smem:$0x3FAE] =	sst s4  }
0xd: {  	[smem:$0x3FAF] =	sst s5  }
0xe: {  	[smem:$0x3FB0] =	sst s6  }
0xf: {  	[smem:$0x3FB1] =	sst s7  }
0x10: {  	[smem:$0x3FB2] =	sst s8  }
0x11: {  	[smem:$0x3FB3] =	sst s9;
	s0 =	simm.s32 @!p0 $0x0  }
0x12: {  	s1 =	sld [smem:$0x3F99];
	s0 =	simm.s32 @p0 $0x1  }
0x13: {  	[smem:$0x3FB4] =	sst s0;
	s0 =	simm.s32 @!p1 $0x0  }
0x14: {  	s2 =	sld [smem:$0x3F98];
	s0 =	simm.s32 @p1 $0x1  }
0x15: {  	[smem:$0x3FB5] =	sst s0;
	s0 =	simm.s32 @!p2 $0x0  }
0x16: {  	s3 =	sld [smem:$0x3FDB];
	s0 =	simm.s32 @p2 $0x1  }
0x17: {  	s4 =	simm.s32 $0x1BF5;
	[smem:$0x3FB7] =	sst s0  }
0x18: {  	s0 =	sld [smem:$0x3F9A];
	_ =	swait.ge [sflag:s4], $0x0  }
0x19: {  	s7 =	sld [smem:$0x3F9B]  }
0x1a: {  	s8 =	sadd.s32 $0xFFFFE003, lr  }
0x1b: {  	s9 =	sadd.s32 $0xFFFFFEF7, lr;
	s5 =	simm.s32 $0xFFFFFFFF;
	p2 =	slt.u32 s8, $0xFFFFF086  }
0x1c: {  	p1 =	slt.u32 s9, $0xF7A;
	s5 =	simm.s32 @!p2 $0x0  }
0x1d: {  	s5 =	simm.s32 @p1 $0x1;
	p0 =	seq.s32 s7, s2  }
0x1e: {  	s7 =	smul.u32 @!p0 $0xF7A, s2;
	p2 =	seq.s32 @!p0 s5, $0x0  }
0x1f: {  	s9 =	smul.u32 $0xF7A, s1;
	s8 =	simm.s32 @!p0 $0x1BF5;
	p2 =	por !p2, p0  }
0x20: {  	[sflag:s8] =	ssyncset.s32 @!p0 $0xFFFFF086;
	s6 =	sadd.s32 @!p0 s3, s7;
	s7 =	simm.s32 @!p0 $0x108  }
0x21: {  	s3 =	sadd.s32 s3, s9;
	s6 =	sadd.s32 @!p0 $0x88, s6;
	s7 =	simm.s32 @p2 $0x1082  }
0x22: {  	[simem:s7], [sflag:s8] =	dma.local @!p0 [hbm:s6], $0xF7A  }
0x23: {  	s9 =	sor.u32 $0xD0000000, s2;
	s6 =	simm.s32 $0x108;
	_ =	swait.ge @!p0 [sflag:s8], $0x0  }
0x24: {  	s3 =	sadd.s32 $0x88, s3;
	s6 =	simm.s32 @!p1 $0x1082;
	[sflag:s4] =	ssyncset.s32 $0xFFFFF086  }
0x25: {  	[simem:s6], [sflag:s4] =	dma.local [hbm:s3], $0xF7A  }
0x26: {  	[smem:$0x3F9B] =	sst s1;
	(tag) =	ssettag s2;
	_ =	strace s9  }
0x27: {  	s1 =	sld [smem:$0x3FAB]  }
0x28: {  	s2 =	sld [smem:$0x3FAC]  }
0x29: {  	s4 =	sld [smem:$0x3FAE]  }
0x2a: {  	p0 =	seq.s32 s5, $0x0;
	s5 =	sld [smem:$0x3FAF]  }
0x2b: {  	s6 =	sld [smem:$0x3FB0]  }
0x2c: {  	s7 =	sld [smem:$0x3FB1]  }
0x2d: {  	s3 =	simm.s32 $0x108;
	s8 =	sld [smem:$0x3FB2]  }
0x2e: {  	s3 =	simm.s32 @!p0 $0x1082;
	s9 =	sld [smem:$0x3FB3]  }
0x2f: {  	lr =	sadd.s32 s0, s3;
	s0 =	sld [smem:$0x3FAA]  }
0x30: {  	s3 =	sld [smem:$0x3FAD]  }
0x31: {  	[smem:$0x3FB6] =	sst s10  }
0x32: {  	s10 =	sld [smem:$0x3FB4];
	_ =	sdelay $0x3  }
0x33: {  	p0 =	seq.s32 s10, $0x1;
	s10 =	sld [smem:$0x3FB6];
	_ =	sdelay $0x3  }
0x34: {  	[smem:$0x3FB6] =	sst s10  }
0x35: {  	s10 =	sld [smem:$0x3FB5];
	_ =	sdelay $0x3  }
0x36: {  	p1 =	seq.s32 s10, $0x1;
	s10 =	sld [smem:$0x3FB6];
	_ =	sdelay $0x3  }
0x37: {  	[smem:$0x3FB6] =	sst s10  }
0x38: {  	s10 =	sld [smem:$0x3FB7]  }
0x39: {  	_ = 	snop;
	(pc) =	sbr.ind lr, $3  }
0x3a: {  	_ = 	snop  }
0x3b: {  	_ = 	snop  }
0x3c: {  	p2 =	seq.s32 s10, $0x1;
	s10 =	sld [smem:$0x3FB6]  }
0x3d: {  	_ =	shalt  }
0x3e: {  	_ =	shalt  }
0x3f: {  	_ =	shalt  }
0x40: {  	_ =	shalt  }
0x41: {  	_ =	shalt  }
0x42: {  	_ =	shalt  }
0x43: {  	_ =	shalt  }
0x44: {  	_ =	shalt  }
0x45: {  	_ =	shalt  }
0x46: {  	_ =	shalt  }
0x47: {  	_ =	shalt  }
0x48: {  	_ =	shalt  }
0x49: {  	_ =	shalt  }
0x4a: {  	_ =	shalt  }
0x4b: {  	_ =	shalt  }
0x4c: {  	_ =	shalt  }
0x4d: {  	_ =	shalt  }
0x4e: {  	_ =	shalt  }
0x4f: {  	_ =	shalt  }
0x50: {  	_ =	shalt  }
0x51: {  	_ =	shalt  }
0x52: {  	_ =	shalt  }
0x53: {  	_ =	shalt  }
0x54: {  	_ =	shalt  }
0x55: {  	_ =	shalt  }
0x56: {  	_ =	shalt  }
0x57: {  	_ =	shalt  }
0x58: {  	_ =	shalt  }
0x59: {  	_ =	shalt  }
0x5a: {  	_ =	shalt  }
0x5b: {  	_ =	shalt  }
0x5c: {  	_ =	shalt  }
0x5d: {  	_ =	shalt  }
0x5e: {  	_ =	shalt  }
0x5f: {  	_ =	shalt  }
0x60: {  	_ =	shalt  }
0x61: {  	_ =	shalt  }
0x62: {  	_ =	shalt  }
0x63: {  	_ =	shalt  }
0x64: {  	_ =	shalt  }
0x65: {  	_ =	shalt  }
0x66: {  	_ =	shalt  }
0x67: {  	_ =	shalt  }
0x68: {  	_ =	shalt  }
0x69: {  	_ =	shalt  }
0x6a: {  	_ =	shalt  }
0x6b: {  	_ =	shalt  }
0x6c: {  	_ =	shalt  }
0x6d: {  	_ =	shalt  }
0x6e: {  	_ =	shalt  }
0x6f: {  	_ =	shalt  }
0x70: {  	_ =	shalt  }
0x71: {  	_ =	shalt  }
0x72: {  	_ =	shalt  }
0x73: {  	_ =	shalt  }
0x74: {  	_ =	shalt  }
0x75: {  	_ =	shalt  }
0x76: {  	_ =	shalt  }
0x77: {  	_ =	shalt  }
0x78: {  	_ =	shalt  }
0x79: {  	_ =	shalt  }
0x7a: {  	_ =	shalt  }
0x7b: {  	_ =	shalt  }
0x7c: {  	_ =	shalt  }
0x7d: {  	_ =	shalt  }
0x7e: {  	_ =	shalt  }
0x7f: {  	_ =	shalt  }
0x80: {  	_ =	shalt  }
0x81: {  	_ =	shalt  }
0x82: {  	_ =	shalt  }
0x83: {  	_ =	shalt  }
0x84: {  	_ =	shalt  }
0x85: {  	_ =	shalt  }
0x86: {  	_ =	shalt  }
0x87: {  	_ =	shalt  }
.Lfunc_end0:
.L_simem_size_0:
called_computation.2_lowered:
.L_overlay_start_0:
0x88: {  	s2 =	sld [smem:$0x3FD9]  }
0x89: {  	s3 =	sld [smem:$0x3FFE];
	_ =	sdelay $0x1  }
0x8a: {  	s1 =	srdreg.scid  }
0x8b: {  	s0 =	sand.u32 $0x1, s1  }
0x8c: {  	s16 =	sshll.u32 s0, $0xA;
	s2 =	sadd.s32 s3, s2  }
0x8d: {  	s2 =	sadd.s32 s2, s16  }
0x8e: {  	[smem:$0x3FC2] =	sst s2  }
0x8f: {  	_ = 	snop  }
0x90: {  	(tm) =	ssettm $0x1  }
0x91: {  	s17 =	sld [smem:$0x3FFB];
	_ =	sdelay $0x3  }
0x92: {  	_ =	strace s17  }
0x93: {  	s2 =	sld [smem:$0x3FFC];
	_ =	sdelay $0x3  }
0x94: {  	_ =	strace s2  }
0x95: {  	s2 =	sld [smem:$0x3FFD];
	_ =	sdelay $0x3  }
0x96: {  	_ =	strace s2  }
0x97: {  	_ =	strace $0x8FFFFFFF  }
0x98: {  	s18 =	sld [smem:$0x3FDB];
	_ =	sdelay $0x1  }
0x99: {  	s19 =	simm.s32 $_scs_section_size  }
0x9a: {  	s4 =	simm.s32 $_size__tile_overlayer_lowered;
	s5 =	simm.s32 $_tile_overlayer_lowered  }
0x9b: {  	s22 =	simm.s32 $0x1BFF;
	s21 =	sshll.u32 s5, $0x1;
	s2 =	sadd.s32 s19, s18  }
0x9c: {  	s6 =	simm.s32 $0x0;
	s20 =	sshll.u32 s4, $0x1;
	s4 =	sadd.s32 s21, s2  }
0x9d: {  	[timem:s6], [sflag:s22] =	dma.local [hbm:s4], s20  }
0x9e: {  	_ =	swait.ge [sflag:s22], s20  }
0x9f: {  	s3 =	ssub.s32 $0x0, s20;
	[sflag:s22] =	ssyncset.done $0x0  }
0xa0: {  	[sflag:s22] =	ssyncadd.s32 s3;
	_ =	sdelay $0x1  }
0xa1: {  	s23 =	simm.s32 $0x1B8B  }
0xa2: {  	_ =	swait.ge [sflag:s23], $0x1  }
0xa3: {  	[sflag:s23] =	ssyncset.done $0x0  }
0xa4: {  	s25 =	simm.s32 $0x1B8E;
	s24 =	sld [smem:$0x3FFE];
	[sflag:s23] =	ssyncadd.s32 $0xFFFFFFFF  }
0xa5: {  	s26 =	simm.s32 $execute0_lowered;
	[smem:$0x3FD2] =	sst s25  }
0xa6: {  	s4 =	sshll.u32 s26, $0x1;
	_ =	strace $0x8000004C;
	[dreg:$0x1] =	wrdreg $0xFFFFFFFF  }
0xa7: {  	s28 =	simm.s32 $_size_execute0_lowered;
	s2 =	sadd.s32 s2, s4;
	[dreg:$0x0] =	wrdreg $0x0  }
0xa8: {  	s4 =	sshll.u32 s28, $0x1;
	[dreg:$0x2] =	wrdreg s2  }
0xa9: {  	[dreg:$0x3] =	wrdreg s4  }
0xaa: {  	[dreg:$0x4] =	wrdreg $0xC0  }
0xab: {  	_ =	task [dreg:s6], $0x5FFFF  }
0xac: {  	[dreg:$0x1] =	wrdreg $0xFFFFFFFF  }
0xad: {  	[dreg:$0x0] =	wrdreg $0x60  }
0xae: {  	[dreg:$0x2] =	wrdreg s24  }
0xaf: {  	[dreg:$0x3] =	wrdreg $0x31000  }
0xb0: {  	[dreg:$0x4] =	wrdreg $0x9  }
0xb1: {  	_ =	task.clear_ibuf [dreg:s6], $0x5FFFF;
	_ =	strace $0x9000004C  }
0xb2: {  	s29 =	simm.s32 $0x9;
	_ =	strace $0x8000004E  }
0xb3: {  	_ =	swait.ge [sflag:s29], $0x1  }
0xb4: {  	[sflag:s29] =	ssyncadd.s32 $0xFFFFFFFF  }
0xb5: {  	_ =	strace $0x9000004E  }
0xb6: {  	_ =	sfence  }
0xb7: {  	s30 =	sld [smem:$0x0];
	_ =	sdelay $0x2  }
0xb8: {  	s31 =	sshll.u32 s1, $0xD;
	s1 =	sshrl.u32 s1, $0x2  }
0xb9: {  	s3 =	sand.u32 $0x4000, s31;
	s1 =	sadd.s32 s1, s30  }
0xba: {  	s0 =	sor.u32 s3, s0;
	s1 =	sshll.u32 s1, $0x11  }
0xbb: {  	s0 =	sor.u32 s1, s0  }
0xbc: {  	s0 =	sadd.s32 $0x8F2B, s0  }
0xbd: {  	[sflag:s0] =	ssyncadd.remote.s32 $0x1  }
0xbe: {  	_ =	sfence.sel $0xFFFF  }
0xbf: {  	[dreg:$0x0] =	wrdreg $0xFFFFFFFF;
	(pc) =	sbr.abs _section_cstart, $3  }
0xc0: {  	[dreg:$0x1] =	wrdreg $0xFFFFFFFF  }
0xc1: {  	_ =	task.clear_ibuf [dreg:s6], $0x2FFFF;
	_ =	strace $0x9FFFFFFF  }
0xc2: {  	(tm) =	ssettm $0x7FFFFFFF  }
0xc3: {  	_ =	shalt  }
tec
execute0_lowered:
.L_overlay_start_1:
0x0: {  	(tag) =	ssettag $0x1  }
0x1: {  	s5 =	rddreg [dreg:$0x0]  }
0x2: {  	s2 =	rddreg [dreg:$0x1]  }
0x3: {  	s0 =	rddreg [dreg:$0x2]  }
0x4: {  	s3 =	simm.s32 $0x0;
	s1 =	stileid.u32;
	s4 =	srdreg.scid  }
0x5: {  	s12 =	simm.s32 $0x80;
	s13 =	simm.s32 $0x100;
	s14 =	simm.s32 $0x1  }
0x6: {  	s17 =	simm.s32 $0x0;
	[smem:$0x7FF] =	sst s3;
	s6 =	smul.u32 $0x500, s1  }
0x7: {  	s7 =	sand.u32 $0x1, s4;
	s4 =	sadd.s32 $0x1600, s5;
	s11 =	smul.u32 $0xA000, s1  }
0x8: {  	s15 =	sshll.u32 s1, $0x6;
	_ =	strace $0x8000004D;
	s8 =	smul.u32 $0x5000, s7  }
0x9: {  	s10 =	ssub.s32 $0x2, s7;
	s7 =	smul.u32 $0x280, s7;
	s15 =	sor.u32 $0x1C02, s15  }
0xa: {  	s9 =	sadd.s32 s6, s5;
	s30 =	sshrl.u32 s10, $0x1;
	s31 =	sshrl.u32 s11, $0x2  }
0xb: {  	s11 =	simm.s32 $0x2;
	s6 =	sadd.s32 s6, s8;
	s8 =	ssub.s32 s10, s30  }
0xc: {  	s9 =	sadd.s32 s7, s9;
	s10 =	simm.s32 $0x900;
	s6 =	sadd.s32 s6, s5  }
0xd: {  	s5 =	sadd.s32 s31, s2;
	s7 =	smax.u32 s8, $0x1;
	s8 =	sadd.s32 $0xB600, s9  }
0xe: {  	v0 =	vimm.f32 $0.0e+00;
	s9 =	sadd.s32 $0x10600, s9;
	s6 =	sadd.s32 $0x15600, s6;
	s16 =	sshrl.u32 s5, $0x3  }
.LBB2_1:
0xf: {  	s18 =	simm.s32 $0x40;
	s19 =	simm.s32 $0x0  }
.LBB2_2:
0x10: {  	p0 =	sne.s32 s18, $0x9FC0;
	[tilespmem:s19+$0x900] =	vst v0;
	s19 =	smov.u32 s18;
	s18 =	sadd.s32 $0x40, s18  }
.Ltmp0:
0x11: {  	(pc) =	sbr.rel @p0 .LBB2_2-.Ltmp0, $2  }
0x12: {  	_ =	sdelay $0x2  }
0x13: {  	s19 =	sshra.s32 s19, $0x2  }
0x14: {  	[tilespmem:s19+$0x900] =	vst v0  }
0x15: {  	[spmem:s5] =	stream.linear.scatter [tilespmem:s10], [sflag:$0x2], $0x2800, $0x38;
	[tilespmem:$0x5900] =	vst v63  }
0x16: {  	_ =	swait.ge [sflag:s11], $0x2800  }
0x17: {  	[sflag:s11] =	ssyncset.done $0x0  }
0x18: {  	[sflag:s11] =	ssyncadd.s32 $0xFFFFD800  }
0x19: {  	s18 =	sadd.s32 $0x0, s9;
	[bflag:$0x0] =	sbarrier.arrive $0xFFFF  }
0x1a: {  	[tilespmem:s3], [sflag:$0x2] =	stream.linear.gather [hbm4b:s18+s3], $0x80, $0x38;
	[tilespmem:$0x5900] =	vst v63  }
0x1b: {  	_ =	swait.ge [sflag:s11], $0x80  }
0x1c: {  	[sflag:s11] =	ssyncset.done $0x0  }
0x1d: {  	s31 =	sadd.s32 $0x0, s8;
	[sflag:s11] =	ssyncadd.s32 $0xFFFFFF80  }
0x1e: {  	[tilespmem:s12], [sflag:$0x2] =	stream.linear.gather [hbm4b:s31+s3], $0x80, $0x38;
	[tilespmem:$0x5900] =	vst v63  }
0x1f: {  	_ =	swait.ge [sflag:s11], $0x80  }
0x20: {  	[sflag:s11] =	ssyncset.done $0x0  }
0x21: {  	[sflag:s11] =	ssyncadd.s32 $0xFFFFFF80  }
0x22: {  	[tilespmem:s13], [sflag:$0x1] =	stream.indirect.gather [hbm4b:s4+s12], $0x10, s3, s12, $0xb8;
	[tilespmem:$0x5900] =	vst v63  }
0x23: {  	_ =	swait.ge [sflag:s14], $0x800  }
0x24: {  	[sflag:s14] =	ssyncset.done $0x0  }
0x25: {  	[sflag:s14] =	ssyncadd.s32 $0xFFFFF800  }
0x26: {  	[spmem:s2] =	stream.indirect.scatter.add.f32 [tilespmem:s13], [sflag:$0x2], $0x10, s12, s12, $0xb8;
	[tilespmem:$0x5900] =	vst v63  }
0x27: {  	_ =	swait.ge [sflag:s11], $0x800  }
0x28: {  	s19 =	simm.s32 $0x20;
	s18 =	simm.s32 $0x10;
	[sflag:s11] =	ssyncset.done $0x0  }
.LBB2_4:
0x29: {  	s20 =	sadd.s32 s18, s9  }
0x2a: {  	[sflag:s11] =	ssyncadd.s32 $0xFFFFF800;
	s21 =	smov.u32 s19;
	s22 =	sadd.s32 $0x10, s19  }
0x2b: {  	[tilespmem:s3], [sflag:$0x2] =	stream.linear.gather [hbm4b:s20+s3], $0x80, $0x38;
	[tilespmem:$0x5900] =	vst v63  }
0x2c: {  	p0 =	sne.s32 s19, $0x270;
	_ =	swait.ge [sflag:s11], $0x80  }
0x2d: {  	[sflag:s11] =	ssyncset.done $0x0  }
0x2e: {  	s19 =	sadd.s32 s18, s8;
	s18 =	smov.u32 s21;
	[sflag:s11] =	ssyncadd.s32 $0xFFFFFF80  }
0x2f: {  	[tilespmem:s12], [sflag:$0x2] =	stream.linear.gather [hbm4b:s19+s3], $0x80, $0x38;
	[tilespmem:$0x5900] =	vst v63  }
0x30: {  	_ =	swait.ge [sflag:s11], $0x80  }
0x31: {  	[sflag:s11] =	ssyncset.done $0x0  }
0x32: {  	[sflag:s11] =	ssyncadd.s32 $0xFFFFFF80  }
0x33: {  	[tilespmem:s13], [sflag:$0x1] =	stream.indirect.gather [hbm4b:s4+s12], $0x10, s3, s12, $0xb8;
	[tilespmem:$0x5900] =	vst v63  }
0x34: {  	_ =	swait.ge [sflag:s14], $0x800  }
.Ltmp1:
0x35: {  	[sflag:s14] =	ssyncset.done $0x0;
	(pc) =	sbr.rel @p0 .LBB2_4-.Ltmp1, $4  }
0x36: {  	[sflag:s14] =	ssyncadd.s32 $0xFFFFF800  }
0x37: {  	[spmem:s2] =	stream.indirect.scatter.add.f32 [tilespmem:s13], [sflag:$0x2], $0x10, s12, s12, $0xb8;
	[tilespmem:$0x5900] =	vst v63  }
0x38: {  	_ =	swait.ge [sflag:s11], $0x800  }
0x39: {  	s19 =	smov.u32 s22;
	[sflag:s11] =	ssyncset.done $0x0  }
0x3a: {  	s19 =	sadd.s32 s18, s9;
	[sflag:s11] =	ssyncadd.s32 $0xFFFFF800  }
0x3b: {  	[tilespmem:s3], [sflag:$0x2] =	stream.linear.gather [hbm4b:s19+s3], $0x80, $0x38;
	[tilespmem:$0x5900] =	vst v63  }
0x3c: {  	_ =	swait.ge [sflag:s11], $0x80  }
0x3d: {  	[sflag:s11] =	ssyncset.done $0x0  }
0x3e: {  	s31 =	sadd.s32 s18, s8;
	[sflag:s11] =	ssyncadd.s32 $0xFFFFFF80  }
0x3f: {  	[tilespmem:s12], [sflag:$0x2] =	stream.linear.gather [hbm4b:s31+s3], $0x80, $0x38;
	[tilespmem:$0x5900] =	vst v63  }
0x40: {  	_ =	swait.ge [sflag:s11], $0x80  }
0x41: {  	[sflag:s11] =	ssyncset.done $0x0  }
0x42: {  	[sflag:s11] =	ssyncadd.s32 $0xFFFFFF80  }
0x43: {  	[tilespmem:s13], [sflag:$0x1] =	stream.indirect.gather [hbm4b:s4+s12], $0x10, s3, s12, $0xb8;
	[tilespmem:$0x5900] =	vst v63  }
0x44: {  	_ =	swait.ge [sflag:s14], $0x800  }
0x45: {  	[sflag:s14] =	ssyncset.done $0x0  }
0x46: {  	[sflag:s14] =	ssyncadd.s32 $0xFFFFF800  }
0x47: {  	[spmem:s2] =	stream.indirect.scatter.add.f32 [tilespmem:s13], [sflag:$0x2], $0x10, s12, s12, $0xb8;
	[tilespmem:$0x5900] =	vst v63  }
0x48: {  	_ =	swait.ge [sflag:s11], $0x800  }
0x49: {  	s17 =	sadd.s32 $0x1, s17;
	[sflag:s11] =	ssyncset.done $0x0  }
0x4a: {  	p0 =	sne.s32 s17, s7;
	[sflag:s11] =	ssyncadd.s32 $0xFFFFF800  }
.Ltmp2:
0x4b: {  	[bflag:$0x0] =	sbarrier.arrive $0xFFFF;
	(pc) =	sbr.rel @p0 .LBB2_1-.Ltmp2, $4  }
0x4c: {  	[hbm:s6], [sflag:s15] =	dma.local [spmem:s16], $0x500  }
0x4d: {  	_ =	swait.ge [sflag:s11], $0x500  }
0x4e: {  	[sflag:s11] =	ssyncset.done $0x0  }
0x4f: {  	[sflag:s11] =	ssyncadd.s32 $0xFFFFFB00  }
0x50: {  	_ =	sfence.sel $0x180000  }
0x51: {  	[bflag:$0x0] =	sbarrier.arrive $0xFFFF  }
0x52: {  	p0 =	sne.s32 s1, $0x0;
	_ =	strace $0x9000004D  }
0x53: {  	s0 =	sadd.s32 @!p0 $0x100000, s0;
	[bflag:$0x2] =	sbarrier.arrive $0xFFFF  }
0x54: {  	[sflag:s0] =	ssyncadd.tile.s32 @!p0 $0x1;
	_ =	shalt  }
.Lfunc_end2:
_tile_overlayer_lowered:
.L_overlay_start_2:
0x55: {  	(tag) =	ssettag $0x2  }
0x56: {  	s0 =	rddreg [dreg:$0x0];
	s2 =	stileid.u32  }
0x57: {  	s1 =	rddreg [dreg:$0x1];
	p0 =	sne.s32 s2, $0x0  }
0x58: {  	s3 =	rddreg [dreg:$0x2];
	[bflag:$0x3] =	sbarrier.arrive $0xFFFF;
	s2 =	simm.s32 @!p0 $0x1C02  }
0x59: {  	[timem:s3], [sflag:s2] =	dma.local @!p0 [hbm:s0], s1  }
0x5a: {  	s0 =	simm.s32 @!p0 $0x2  }
0x5b: {  	_ =	swait.ge @!p0 [sflag:s0], s1  }
0x5c: {  	s1 =	ssub.s32 @!p0 $0x0, s1;
	[sflag:s0] =	ssyncset.done @!p0 $0x0  }
0x5d: {  	[sflag:s0] =	ssyncadd.s32 @!p0 s1  }
0x5e: {  	[bflag:$0x3] =	sbarrier.arrive $0xFFFF  }
0x5f: {  	_ =	shalt  }

// kernel: kernel.20.cloned.1.call-start
scs
__scs_entry_jumppad:
0x0: {  	(pc) =	sbr.rel $0x88, $3  }
0x1: {  	(tag) =	ssettag $0x0;
	lr =	simm.s32 $0x1  }
0x2: {  	[smem:$0x3F9B] =	sst lr;
	_ =	strace $0xD0000000  }
0x3: {  	_ = 	snop  }
0x4: {  	_ = 	snop  }
0x5: {  	_ = 	snop  }
0x6: {  	_ = 	snop  }
0x7: {  	_ = 	snop  }
__scs_overlays_trampoline_lowered:
0x8: {  	[smem:$0x3FAA] =	sst s0  }
0x9: {  	[smem:$0x3FAB] =	sst s1  }
0xa: {  	[smem:$0x3FAC] =	sst s2  }
0xb: {  	[smem:$0x3FAD] =	sst s3  }
0xc: {  	[smem:$0x3FAE] =	sst s4  }
0xd: {  	[smem:$0x3FAF] =	sst s5  }
0xe: {  	[smem:$0x3FB0] =	sst s6  }
0xf: {  	[smem:$0x3FB1] =	sst s7  }
0x10: {  	[smem:$0x3FB2] =	sst s8  }
0x11: {  	[smem:$0x3FB3] =	sst s9;
	s0 =	simm.s32 @!p0 $0x0  }
0x12: {  	s1 =	sld [smem:$0x3F99];
	s0 =	simm.s32 @p0 $0x1  }
0x13: {  	[smem:$0x3FB4] =	sst s0;
	s0 =	simm.s32 @!p1 $0x0  }
0x14: {  	s2 =	sld [smem:$0x3F98];
	s0 =	simm.s32 @p1 $0x1  }
0x15: {  	[smem:$0x3FB5] =	sst s0;
	s0 =	simm.s32 @!p2 $0x0  }
0x16: {  	s3 =	sld [smem:$0x3FDB];
	s0 =	simm.s32 @p2 $0x1  }
0x17: {  	s4 =	simm.s32 $0x1BF5;
	[smem:$0x3FB7] =	sst s0  }
0x18: {  	s0 =	sld [smem:$0x3F9A];
	_ =	swait.ge [sflag:s4], $0x0  }
0x19: {  	s7 =	sld [smem:$0x3F9B]  }
0x1a: {  	s8 =	sadd.s32 $0xFFFFE003, lr  }
0x1b: {  	s9 =	sadd.s32 $0xFFFFFEF7, lr;
	s5 =	simm.s32 $0xFFFFFFFF;
	p2 =	slt.u32 s8, $0xFFFFF086  }
0x1c: {  	p1 =	slt.u32 s9, $0xF7A;
	s5 =	simm.s32 @!p2 $0x0  }
0x1d: {  	s5 =	simm.s32 @p1 $0x1;
	p0 =	seq.s32 s7, s2  }
0x1e: {  	s7 =	smul.u32 @!p0 $0xF7A, s2;
	p2 =	seq.s32 @!p0 s5, $0x0  }
0x1f: {  	s9 =	smul.u32 $0xF7A, s1;
	s8 =	simm.s32 @!p0 $0x1BF5;
	p2 =	por !p2, p0  }
0x20: {  	[sflag:s8] =	ssyncset.s32 @!p0 $0xFFFFF086;
	s6 =	sadd.s32 @!p0 s3, s7;
	s7 =	simm.s32 @!p0 $0x108  }
0x21: {  	s3 =	sadd.s32 s3, s9;
	s6 =	sadd.s32 @!p0 $0x88, s6;
	s7 =	simm.s32 @p2 $0x1082  }
0x22: {  	[simem:s7], [sflag:s8] =	dma.local @!p0 [hbm:s6], $0xF7A  }
0x23: {  	s9 =	sor.u32 $0xD0000000, s2;
	s6 =	simm.s32 $0x108;
	_ =	swait.ge @!p0 [sflag:s8], $0x0  }
0x24: {  	s3 =	sadd.s32 $0x88, s3;
	s6 =	simm.s32 @!p1 $0x1082;
	[sflag:s4] =	ssyncset.s32 $0xFFFFF086  }
0x25: {  	[simem:s6], [sflag:s4] =	dma.local [hbm:s3], $0xF7A  }
0x26: {  	[smem:$0x3F9B] =	sst s1;
	(tag) =	ssettag s2;
	_ =	strace s9  }
0x27: {  	s1 =	sld [smem:$0x3FAB]  }
0x28: {  	s2 =	sld [smem:$0x3FAC]  }
0x29: {  	s4 =	sld [smem:$0x3FAE]  }
0x2a: {  	p0 =	seq.s32 s5, $0x0;
	s5 =	sld [smem:$0x3FAF]  }
0x2b: {  	s6 =	sld [smem:$0x3FB0]  }
0x2c: {  	s7 =	sld [smem:$0x3FB1]  }
0x2d: {  	s3 =	simm.s32 $0x108;
	s8 =	sld [smem:$0x3FB2]  }
0x2e: {  	s3 =	simm.s32 @!p0 $0x1082;
	s9 =	sld [smem:$0x3FB3]  }
0x2f: {  	lr =	sadd.s32 s0, s3;
	s0 =	sld [smem:$0x3FAA]  }
0x30: {  	s3 =	sld [smem:$0x3FAD]  }
0x31: {  	[smem:$0x3FB6] =	sst s10  }
0x32: {  	s10 =	sld [smem:$0x3FB4];
	_ =	sdelay $0x3  }
0x33: {  	p0 =	seq.s32 s10, $0x1;
	s10 =	sld [smem:$0x3FB6];
	_ =	sdelay $0x3  }
0x34: {  	[smem:$0x3FB6] =	sst s10  }
0x35: {  	s10 =	sld [smem:$0x3FB5];
	_ =	sdelay $0x3  }
0x36: {  	p1 =	seq.s32 s10, $0x1;
	s10 =	sld [smem:$0x3FB6];
	_ =	sdelay $0x3  }
0x37: {  	[smem:$0x3FB6] =	sst s10  }
0x38: {  	s10 =	sld [smem:$0x3FB7]  }
0x39: {  	_ = 	snop;
	(pc) =	sbr.ind lr, $3  }
0x3a: {  	_ = 	snop  }
0x3b: {  	_ = 	snop  }
0x3c: {  	p2 =	seq.s32 s10, $0x1;
	s10 =	sld [smem:$0x3FB6]  }
0x3d: {  	_ =	shalt  }
0x3e: {  	_ =	shalt  }
0x3f: {  	_ =	shalt  }
0x40: {  	_ =	shalt  }
0x41: {  	_ =	shalt  }
0x42: {  	_ =	shalt  }
0x43: {  	_ =	shalt  }
0x44: {  	_ =	shalt  }
0x45: {  	_ =	shalt  }
0x46: {  	_ =	shalt  }
0x47: {  	_ =	shalt  }
0x48: {  	_ =	shalt  }
0x49: {  	_ =	shalt  }
0x4a: {  	_ =	shalt  }
0x4b: {  	_ =	shalt  }
0x4c: {  	_ =	shalt  }
0x4d: {  	_ =	shalt  }
0x4e: {  	_ =	shalt  }
0x4f: {  	_ =	shalt  }
0x50: {  	_ =	shalt  }
0x51: {  	_ =	shalt  }
0x52: {  	_ =	shalt  }
0x53: {  	_ =	shalt  }
0x54: {  	_ =	shalt  }
0x55: {  	_ =	shalt  }
0x56: {  	_ =	shalt  }
0x57: {  	_ =	shalt  }
0x58: {  	_ =	shalt  }
0x59: {  	_ =	shalt  }
0x5a: {  	_ =	shalt  }
0x5b: {  	_ =	shalt  }
0x5c: {  	_ =	shalt  }
0x5d: {  	_ =	shalt  }
0x5e: {  	_ =	shalt  }
0x5f: {  	_ =	shalt  }
0x60: {  	_ =	shalt  }
0x61: {  	_ =	shalt  }
0x62: {  	_ =	shalt  }
0x63: {  	_ =	shalt  }
0x64: {  	_ =	shalt  }
0x65: {  	_ =	shalt  }
0x66: {  	_ =	shalt  }
0x67: {  	_ =	shalt  }
0x68: {  	_ =	shalt  }
0x69: {  	_ =	shalt  }
0x6a: {  	_ =	shalt  }
0x6b: {  	_ =	shalt  }
0x6c: {  	_ =	shalt  }
0x6d: {  	_ =	shalt  }
0x6e: {  	_ =	shalt  }
0x6f: {  	_ =	shalt  }
0x70: {  	_ =	shalt  }
0x71: {  	_ =	shalt  }
0x72: {  	_ =	shalt  }
0x73: {  	_ =	shalt  }
0x74: {  	_ =	shalt  }
0x75: {  	_ =	shalt  }
0x76: {  	_ =	shalt  }
0x77: {  	_ =	shalt  }
0x78: {  	_ =	shalt  }
0x79: {  	_ =	shalt  }
0x7a: {  	_ =	shalt  }
0x7b: {  	_ =	shalt  }
0x7c: {  	_ =	shalt  }
0x7d: {  	_ =	shalt  }
0x7e: {  	_ =	shalt  }
0x7f: {  	_ =	shalt  }
0x80: {  	_ =	shalt  }
0x81: {  	_ =	shalt  }
0x82: {  	_ =	shalt  }
0x83: {  	_ =	shalt  }
0x84: {  	_ =	shalt  }
0x85: {  	_ =	shalt  }
0x86: {  	_ =	shalt  }
0x87: {  	_ =	shalt  }
.Lfunc_end0:
.L_simem_size_0:
called_computation.3_lowered:
.L_overlay_start_0:
0x88: {  	s2 =	sld [smem:$0x3FD9]  }
0x89: {  	s3 =	sld [smem:$0x3FFE];
	_ =	sdelay $0x1  }
0x8a: {  	s1 =	srdreg.scid  }
0x8b: {  	s0 =	sand.u32 $0x1, s1  }
0x8c: {  	s16 =	sshll.u32 s0, $0xA;
	s2 =	sadd.s32 s3, s2  }
0x8d: {  	s2 =	sadd.s32 s2, s16  }
0x8e: {  	[smem:$0x3FC2] =	sst s2  }
0x8f: {  	_ = 	snop  }
0x90: {  	(tm) =	ssettm $0x1  }
0x91: {  	s17 =	sld [smem:$0x3FFB];
	_ =	sdelay $0x3  }
0x92: {  	_ =	strace s17  }
0x93: {  	s2 =	sld [smem:$0x3FFC];
	_ =	sdelay $0x3  }
0x94: {  	_ =	strace s2  }
0x95: {  	s2 =	sld [smem:$0x3FFD];
	_ =	sdelay $0x3  }
0x96: {  	_ =	strace s2  }
0x97: {  	_ =	strace $0x8FFFFFFF  }
0x98: {  	s18 =	sld [smem:$0x3FDB];
	_ =	sdelay $0x1  }
0x99: {  	s19 =	simm.s32 $_scs_section_size  }
0x9a: {  	s4 =	simm.s32 $_size__tile_overlayer_lowered;
	s5 =	simm.s32 $_tile_overlayer_lowered  }
0x9b: {  	s22 =	simm.s32 $0x1BFF;
	s21 =	sshll.u32 s5, $0x1;
	s2 =	sadd.s32 s19, s18  }
0x9c: {  	s6 =	simm.s32 $0x0;
	s20 =	sshll.u32 s4, $0x1;
	s4 =	sadd.s32 s21, s2  }
0x9d: {  	[timem:s6], [sflag:s22] =	dma.local [hbm:s4], s20  }
0x9e: {  	_ =	swait.ge [sflag:s22], s20  }
0x9f: {  	s3 =	ssub.s32 $0x0, s20;
	[sflag:s22] =	ssyncset.done $0x0  }
0xa0: {  	[sflag:s22] =	ssyncadd.s32 s3;
	_ =	sdelay $0x1  }
0xa1: {  	s23 =	simm.s32 $0x1B8B  }
0xa2: {  	_ =	swait.ge [sflag:s23], $0x1  }
0xa3: {  	[sflag:s23] =	ssyncset.done $0x0  }
0xa4: {  	s25 =	simm.s32 $0x1B8E;
	s24 =	sld [smem:$0x3FFE];
	[sflag:s23] =	ssyncadd.s32 $0xFFFFFFFF  }
0xa5: {  	s26 =	simm.s32 $execute0_lowered;
	[smem:$0x3FD2] =	sst s25  }
0xa6: {  	s4 =	sshll.u32 s26, $0x1;
	_ =	strace $0x8000004F;
	[dreg:$0x1] =	wrdreg $0xFFFFFFFF  }
0xa7: {  	s28 =	simm.s32 $_size_execute0_lowered;
	s2 =	sadd.s32 s2, s4;
	[dreg:$0x0] =	wrdreg $0x0  }
0xa8: {  	s4 =	sshll.u32 s28, $0x1;
	[dreg:$0x2] =	wrdreg s2  }
0xa9: {  	[dreg:$0x3] =	wrdreg s4  }
0xaa: {  	[dreg:$0x4] =	wrdreg $0xC0  }
0xab: {  	_ =	task [dreg:s6], $0x5FFFF  }
0xac: {  	[dreg:$0x1] =	wrdreg $0xFFFFFFFF  }
0xad: {  	[dreg:$0x0] =	wrdreg $0x60  }
0xae: {  	[dreg:$0x2] =	wrdreg s24  }
0xaf: {  	[dreg:$0x3] =	wrdreg $0x31000  }
0xb0: {  	[dreg:$0x4] =	wrdreg $0x9  }
0xb1: {  	_ =	task.clear_ibuf [dreg:s6], $0x5FFFF;
	_ =	strace $0x9000004F  }
0xb2: {  	s29 =	simm.s32 $0x9;
	_ =	strace $0x80000051  }
0xb3: {  	_ =	swait.ge [sflag:s29], $0x1  }
0xb4: {  	[sflag:s29] =	ssyncadd.s32 $0xFFFFFFFF  }
0xb5: {  	_ =	strace $0x90000051  }
0xb6: {  	_ =	sfence  }
0xb7: {  	s30 =	sld [smem:$0x0];
	_ =	sdelay $0x2  }
0xb8: {  	s31 =	sshll.u32 s1, $0xD;
	s1 =	sshrl.u32 s1, $0x2  }
0xb9: {  	s3 =	sand.u32 $0x4000, s31;
	s1 =	sadd.s32 s1, s30  }
0xba: {  	s0 =	sor.u32 s3, s0;
	s1 =	sshll.u32 s1, $0x11  }
0xbb: {  	s0 =	sor.u32 s1, s0  }
0xbc: {  	s0 =	sadd.s32 $0x8F2B, s0  }
0xbd: {  	[sflag:s0] =	ssyncadd.remote.s32 $0x1  }
0xbe: {  	_ =	sfence.sel $0xFFFF  }
0xbf: {  	[dreg:$0x0] =	wrdreg $0xFFFFFFFF;
	(pc) =	sbr.abs _section_cstart, $3  }
0xc0: {  	[dreg:$0x1] =	wrdreg $0xFFFFFFFF  }
0xc1: {  	_ =	task.clear_ibuf [dreg:s6], $0x2FFFF;
	_ =	strace $0x9FFFFFFF  }
0xc2: {  	(tm) =	ssettm $0x7FFFFFFF  }
0xc3: {  	_ =	shalt  }
tec
execute0_lowered:
.L_overlay_start_1:
0x0: {  	(tag) =	ssettag $0x1  }
0x1: {  	s5 =	rddreg [dreg:$0x0]  }
0x2: {  	s2 =	rddreg [dreg:$0x1]  }
0x3: {  	s0 =	rddreg [dreg:$0x2]  }
0x4: {  	s3 =	simm.s32 $0x0;
	s1 =	stileid.u32;
	s4 =	srdreg.scid  }
0x5: {  	s12 =	simm.s32 $0x80;
	s13 =	simm.s32 $0x100;
	s14 =	simm.s32 $0x1  }
0x6: {  	s17 =	simm.s32 $0x0;
	[smem:$0x7FF] =	sst s3;
	s6 =	smul.u32 $0x500, s1  }
0x7: {  	s7 =	sand.u32 $0x1, s4;
	s4 =	sadd.s32 $0x1600, s5;
	s11 =	smul.u32 $0xA000, s1  }
0x8: {  	s15 =	sshll.u32 s1, $0x6;
	_ =	strace $0x80000050;
	s8 =	smul.u32 $0x5000, s7  }
0x9: {  	s10 =	ssub.s32 $0x2, s7;
	s7 =	smul.u32 $0x280, s7;
	s15 =	sor.u32 $0x1C02, s15  }
0xa: {  	s9 =	sadd.s32 s6, s5;
	s30 =	sshrl.u32 s10, $0x1;
	s31 =	sshrl.u32 s11, $0x2  }
0xb: {  	s11 =	simm.s32 $0x2;
	s6 =	sadd.s32 s6, s8;
	s8 =	ssub.s32 s10, s30  }
0xc: {  	s9 =	sadd.s32 s7, s9;
	s10 =	simm.s32 $0x900;
	s6 =	sadd.s32 s6, s5  }
0xd: {  	s5 =	sadd.s32 s31, s2;
	s7 =	smax.u32 s8, $0x1;
	s8 =	sadd.s32 $0x10600, s9  }
0xe: {  	v0 =	vimm.f32 $0.0e+00;
	s9 =	sadd.s32 $0xB600, s9;
	s6 =	sadd.s32 $0x15600, s6;
	s16 =	sshrl.u32 s5, $0x3  }
.LBB2_1:
0xf: {  	s18 =	simm.s32 $0x40;
	s19 =	simm.s32 $0x0  }
.LBB2_2:
0x10: {  	p0 =	sne.s32 s18, $0x9FC0;
	[tilespmem:s19+$0x900] =	vst v0;
	s19 =	smov.u32 s18;
	s18 =	sadd.s32 $0x40, s18  }
.Ltmp0:
0x11: {  	(pc) =	sbr.rel @p0 .LBB2_2-.Ltmp0, $2  }
0x12: {  	_ =	sdelay $0x2  }
0x13: {  	s19 =	sshra.s32 s19, $0x2  }
0x14: {  	[tilespmem:s19+$0x900] =	vst v0  }
0x15: {  	[spmem:s5] =	stream.linear.scatter [tilespmem:s10], [sflag:$0x2], $0x2800, $0x38;
	[tilespmem:$0x5900] =	vst v63  }
0x16: {  	_ =	swait.ge [sflag:s11], $0x2800  }
0x17: {  	[sflag:s11] =	ssyncset.done $0x0  }
0x18: {  	[sflag:s11] =	ssyncadd.s32 $0xFFFFD800  }
0x19: {  	s18 =	sadd.s32 $0x0, s9;
	[bflag:$0x0] =	sbarrier.arrive $0xFFFF  }
0x1a: {  	[tilespmem:s3], [sflag:$0x2] =	stream.linear.gather [hbm4b:s18+s3], $0x80, $0x38;
	[tilespmem:$0x5900] =	vst v63  }
0x1b: {  	_ =	swait.ge [sflag:s11], $0x80  }
0x1c: {  	[sflag:s11] =	ssyncset.done $0x0  }
0x1d: {  	s31 =	sadd.s32 $0x0, s8;
	[sflag:s11] =	ssyncadd.s32 $0xFFFFFF80  }
0x1e: {  	[tilespmem:s12], [sflag:$0x2] =	stream.linear.gather [hbm4b:s31+s3], $0x80, $0x38;
	[tilespmem:$0x5900] =	vst v63  }
0x1f: {  	_ =	swait.ge [sflag:s11], $0x80  }
0x20: {  	[sflag:s11] =	ssyncset.done $0x0  }
0x21: {  	[sflag:s11] =	ssyncadd.s32 $0xFFFFFF80  }
0x22: {  	[tilespmem:s13], [sflag:$0x1] =	stream.indirect.gather [hbm4b:s4+s12], $0x10, s3, s12, $0xb8;
	[tilespmem:$0x5900] =	vst v63  }
0x23: {  	_ =	swait.ge [sflag:s14], $0x800  }
0x24: {  	[sflag:s14] =	ssyncset.done $0x0  }
0x25: {  	[sflag:s14] =	ssyncadd.s32 $0xFFFFF800  }
0x26: {  	[spmem:s2] =	stream.indirect.scatter.add.f32 [tilespmem:s13], [sflag:$0x2], $0x10, s12, s12, $0xb8;
	[tilespmem:$0x5900] =	vst v63  }
0x27: {  	_ =	swait.ge [sflag:s11], $0x800  }
0x28: {  	s19 =	simm.s32 $0x20;
	s18 =	simm.s32 $0x10;
	[sflag:s11] =	ssyncset.done $0x0  }
.LBB2_4:
0x29: {  	s20 =	sadd.s32 s18, s9  }
0x2a: {  	[sflag:s11] =	ssyncadd.s32 $0xFFFFF800;
	s21 =	smov.u32 s19;
	s22 =	sadd.s32 $0x10, s19  }
0x2b: {  	[tilespmem:s3], [sflag:$0x2] =	stream.linear.gather [hbm4b:s20+s3], $0x80, $0x38;
	[tilespmem:$0x5900] =	vst v63  }
0x2c: {  	p0 =	sne.s32 s19, $0x270;
	_ =	swait.ge [sflag:s11], $0x80  }
0x2d: {  	[sflag:s11] =	ssyncset.done $0x0  }
0x2e: {  	s19 =	sadd.s32 s18, s8;
	s18 =	smov.u32 s21;
	[sflag:s11] =	ssyncadd.s32 $0xFFFFFF80  }
0x2f: {  	[tilespmem:s12], [sflag:$0x2] =	stream.linear.gather [hbm4b:s19+s3], $0x80, $0x38;
	[tilespmem:$0x5900] =	vst v63  }
0x30: {  	_ =	swait.ge [sflag:s11], $0x80  }
0x31: {  	[sflag:s11] =	ssyncset.done $0x0  }
0x32: {  	[sflag:s11] =	ssyncadd.s32 $0xFFFFFF80  }
0x33: {  	[tilespmem:s13], [sflag:$0x1] =	stream.indirect.gather [hbm4b:s4+s12], $0x10, s3, s12, $0xb8;
	[tilespmem:$0x5900] =	vst v63  }
0x34: {  	_ =	swait.ge [sflag:s14], $0x800  }
.Ltmp1:
0x35: {  	[sflag:s14] =	ssyncset.done $0x0;
	(pc) =	sbr.rel @p0 .LBB2_4-.Ltmp1, $4  }
0x36: {  	[sflag:s14] =	ssyncadd.s32 $0xFFFFF800  }
0x37: {  	[spmem:s2] =	stream.indirect.scatter.add.f32 [tilespmem:s13], [sflag:$0x2], $0x10, s12, s12, $0xb8;
	[tilespmem:$0x5900] =	vst v63  }
0x38: {  	_ =	swait.ge [sflag:s11], $0x800  }
0x39: {  	s19 =	smov.u32 s22;
	[sflag:s11] =	ssyncset.done $0x0  }
0x3a: {  	s19 =	sadd.s32 s18, s9;
	[sflag:s11] =	ssyncadd.s32 $0xFFFFF800  }
0x3b: {  	[tilespmem:s3], [sflag:$0x2] =	stream.linear.gather [hbm4b:s19+s3], $0x80, $0x38;
	[tilespmem:$0x5900] =	vst v63  }
0x3c: {  	_ =	swait.ge [sflag:s11], $0x80  }
0x3d: {  	[sflag:s11] =	ssyncset.done $0x0  }
0x3e: {  	s31 =	sadd.s32 s18, s8;
	[sflag:s11] =	ssyncadd.s32 $0xFFFFFF80  }
0x3f: {  	[tilespmem:s12], [sflag:$0x2] =	stream.linear.gather [hbm4b:s31+s3], $0x80, $0x38;
	[tilespmem:$0x5900] =	vst v63  }
0x40: {  	_ =	swait.ge [sflag:s11], $0x80  }
0x41: {  	[sflag:s11] =	ssyncset.done $0x0  }
0x42: {  	[sflag:s11] =	ssyncadd.s32 $0xFFFFFF80  }
0x43: {  	[tilespmem:s13], [sflag:$0x1] =	stream.indirect.gather [hbm4b:s4+s12], $0x10, s3, s12, $0xb8;
	[tilespmem:$0x5900] =	vst v63  }
0x44: {  	_ =	swait.ge [sflag:s14], $0x800  }
0x45: {  	[sflag:s14] =	ssyncset.done $0x0  }
0x46: {  	[sflag:s14] =	ssyncadd.s32 $0xFFFFF800  }
0x47: {  	[spmem:s2] =	stream.indirect.scatter.add.f32 [tilespmem:s13], [sflag:$0x2], $0x10, s12, s12, $0xb8;
	[tilespmem:$0x5900] =	vst v63  }
0x48: {  	_ =	swait.ge [sflag:s11], $0x800  }
0x49: {  	s17 =	sadd.s32 $0x1, s17;
	[sflag:s11] =	ssyncset.done $0x0  }
0x4a: {  	p0 =	sne.s32 s17, s7;
	[sflag:s11] =	ssyncadd.s32 $0xFFFFF800  }
.Ltmp2:
0x4b: {  	[bflag:$0x0] =	sbarrier.arrive $0xFFFF;
	(pc) =	sbr.rel @p0 .LBB2_1-.Ltmp2, $4  }
0x4c: {  	[hbm:s6], [sflag:s15] =	dma.local [spmem:s16], $0x500  }
0x4d: {  	_ =	swait.ge [sflag:s11], $0x500  }
0x4e: {  	[sflag:s11] =	ssyncset.done $0x0  }
0x4f: {  	[sflag:s11] =	ssyncadd.s32 $0xFFFFFB00  }
0x50: {  	_ =	sfence.sel $0x180000  }
0x51: {  	[bflag:$0x0] =	sbarrier.arrive $0xFFFF  }
0x52: {  	p0 =	sne.s32 s1, $0x0;
	_ =	strace $0x90000050  }
0x53: {  	s0 =	sadd.s32 @!p0 $0x100000, s0;
	[bflag:$0x2] =	sbarrier.arrive $0xFFFF  }
0x54: {  	[sflag:s0] =	ssyncadd.tile.s32 @!p0 $0x1;
	_ =	shalt  }
.Lfunc_end2:
_tile_overlayer_lowered:
.L_overlay_start_2:
0x55: {  	(tag) =	ssettag $0x2  }
0x56: {  	s0 =	rddreg [dreg:$0x0];
	s2 =	stileid.u32  }
0x57: {  	s1 =	rddreg [dreg:$0x1];
	p0 =	sne.s32 s2, $0x0  }
0x58: {  	s3 =	rddreg [dreg:$0x2];
	[bflag:$0x3] =	sbarrier.arrive $0xFFFF;
	s2 =	simm.s32 @!p0 $0x1C02  }
0x59: {  	[timem:s3], [sflag:s2] =	dma.local @!p0 [hbm:s0], s1  }
0x5a: {  	s0 =	simm.s32 @!p0 $0x2  }
0x5b: {  	_ =	swait.ge @!p0 [sflag:s0], s1  }
0x5c: {  	s1 =	ssub.s32 @!p0 $0x0, s1;
	[sflag:s0] =	ssyncset.done @!p0 $0x0  }
0x5d: {  	[sflag:s0] =	ssyncadd.s32 @!p0 s1  }
0x5e: {  	[bflag:$0x3] =	sbarrier.arrive $0xFFFF  }
0x5f: {  	_ =	shalt  }

</sc_bundles>
